<compile_context>
chip_gen: v7x
topology: tpu7x:2x2x1
jax: 0.10.2.dev20260603
libtpu: 0.0.44.dev20260713+nightly
codegen_flags: <defaults>
</compile_context>

<pallas_src>
import functools

import jax
import jax.numpy as jnp
from jax import lax
from jax.experimental import pallas as pl
from jax.experimental.pallas import tpu as pltpu
from jax.experimental.pallas import tpu_sc as plsc

_DIM = 32
_K = 8192
_N = 4608
_BN = 2304
_NGRID = _N // _BN
_BB = _BN // 576
_NB = 8

_RPW = _N // 32
_C = 72

_INV_COUNT = 1.0 / float(_N * _DIM)


def _tc_argmin_body(x_ref, e_ref, idx_ref, idxl_ref, dsum_ref):
    pid = pl.program_id(0)
    x = x_ref[...].reshape(_BN, _DIM)
    x2 = x + x
    xnorm = jnp.sum(x * x, axis=1, keepdims=True)
    e = e_ref[...]
    enorm = jnp.sum(e * e, axis=0, keepdims=True)
    kh = _K // 2
    ngh = kh // 128
    m = None
    gi = None
    for h in range(2):
        scores2 = jnp.dot(x2, e[:, h * kh:(h + 1) * kh],
                          preferred_element_type=jnp.float32)
        for gl in range(ngh):
            g = h * ngh + gl
            dg = ((xnorm - scores2[:, gl * 128:(gl + 1) * 128])
                  + enorm[:, g * 128:(g + 1) * 128])
            if m is None:
                m, gi = dg, jnp.zeros((_BN, 128), jnp.float32)
            else:
                lt = dg < m
                m = jnp.minimum(m, dg)
                gi = jnp.where(lt, jnp.float32(g), gi)
    gmin = jnp.min(m, axis=1)
    lidx = lax.broadcasted_iota(jnp.int32, (_BN, 128), 1).astype(jnp.float32)
    fidx = gi * 128.0 + lidx
    fbest = jnp.min(jnp.where(m == gmin[:, None], fidx, jnp.inf), axis=1)
    ivec = fbest.astype(jnp.int32)
    ibest = ivec.reshape(_BB, 576)
    for p in range(_NGRID):
        @pl.when(pid == p)
        def _():
            idx_ref[p * _BB:(p + 1) * _BB, :] = ibest
    idxl_ref[pl.ds(pid * _BN, _BN)] = ivec
    bsum = jnp.sum(gmin)[None, None] * jnp.float32(_INV_COUNT)

    @pl.when(pid == 0)
    def _():
        dsum_ref[...] = jnp.zeros((1, 1), jnp.float32)

    dsum_ref[...] += bsum


def _argmin_codes(flat, embed):
    return pl.pallas_call(
        _tc_argmin_body,
        grid=(_NGRID,),
        in_specs=[
            pl.BlockSpec((_BB, 576, _DIM), lambda i: (i, 0, 0)),
            pl.BlockSpec((_DIM, _K), lambda i: (0, 0)),
        ],
        out_specs=[
            pl.BlockSpec((_NB, 576), lambda i: (0, 0)),
            pl.BlockSpec((_N,), lambda i: (0,)),
            pl.BlockSpec((1, 1), lambda i: (0, 0)),
        ],
        out_shape=[
            jax.ShapeDtypeStruct((_NB, 576), jnp.int32),
            jax.ShapeDtypeStruct((_N,), jnp.int32),
            jax.ShapeDtypeStruct((1, 1), jnp.float32),
        ],
    )(flat, embed)


@functools.cache
def _sc_gather():
    @functools.partial(
        pl.kernel,
        mesh=plsc.VectorSubcoreMesh(core_axis_name="c", subcore_axis_name="s"),
        out_type=jax.ShapeDtypeStruct((_NB, 576, _DIM), jnp.float32),
        scratch_types=[
            pltpu.VMEM((_C,), jnp.int32),
            pltpu.VMEM((_C,), jnp.int32),
            pltpu.VMEM((_C, _DIM), jnp.float32),
            pltpu.VMEM((_C, _DIM), jnp.float32),
            pltpu.SemaphoreType.DMA,
        ],
        compiler_params=pltpu.CompilerParams(use_tc_tiling_on_sc=False),
    )
    def sc_body(emb_t, idx, q_out, idx_v0, idx_v1, rows_v0, rows_v1, sem):
        wid = lax.axis_index("s") * 2 + lax.axis_index("c")
        b = wid // 4
        off = (wid % 4) * _RPW
        flat = b * 576 + off
        pltpu.sync_copy(idx.at[pl.ds(flat, _C)], idx_v0)
        pltpu.sync_copy(idx.at[pl.ds(flat + _C, _C)], idx_v1)
        g0 = pltpu.async_copy(emb_t.at[idx_v0], rows_v0, sem)
        g1 = pltpu.async_copy(emb_t.at[idx_v1], rows_v1, sem)
        g0.wait()
        pltpu.sync_copy(rows_v0, q_out.at[b, pl.ds(off, _C)])
        g1.wait()
        pltpu.sync_copy(rows_v1, q_out.at[b, pl.ds(off + _C, _C)])

    return sc_body


def kernel(input, embed):
    idx, idx_lin, dsum = _argmin_codes(input, embed)
    emb_t = embed.T
    quantize = _sc_gather()(emb_t, idx_lin)
    embed_ind = idx
    diff = dsum.reshape(())
    return (quantize, embed_ind, diff, diff)

# --- scband reference (transcript-rebuilt; emitter-appended) ---
"""Pipeline reference for scband-quantize-15831249453829 (READ-ONLY COPY).

The authoritative reference and input builder live on the scoring server;
editing this copy changes nothing except your own understanding.
"""

import jax, jax.numpy as jnp
import numpy as np

DIM = 32
N_EMBED = 8192


def setup_inputs(seed: int = 0) -> dict:
    key = jax.random.key(seed)
    k1, k2 = jax.random.split(key)
    inp = jax.random.normal(k1, (8, 576, DIM), dtype=jnp.float32)
    # codebook buffer: embed has shape [dim, n_embed] as in the torch module
    embed = jax.random.normal(k2, (DIM, N_EMBED), dtype=jnp.float32) * 0.1
    return {"input": inp, "embed": embed}


def reference(input, embed):
    # eval-mode forward (no EMA buffer updates)
    flatten = input.reshape(-1, DIM)  # [N, dim]
    dist = (
        jnp.sum(flatten ** 2, axis=1, keepdims=True)
        - 2.0 * (flatten @ embed)
        + jnp.sum(embed ** 2, axis=0, keepdims=True)
    )  # [N, n_embed]
    embed_ind = jnp.argmax(-dist, axis=1)  # [N]
    embed_ind_r = embed_ind.reshape(input.shape[:-1])  # [B, HW]
    # embedding lookup: embed.T is [n_embed, dim]
    quantize = jnp.take(embed.T, embed_ind_r, axis=0)  # [B, HW, dim]
    # soft quantization
    quant = jax.nn.softmax(-dist, axis=-1) @ embed.T  # [N, dim]
    quant = quant.reshape(input.shape)
    diff = jnp.mean((jax.lax.stop_gradient(quantize) - input) ** 2)
    quantize_st = quant + jax.lax.stop_gradient(quantize - quant)
    embed_loss = jnp.mean((quantize_st - jax.lax.stop_gradient(input)) ** 2)
    return (quantize_st, embed_ind_r, diff, embed_loss)

if __name__ == "__main__":
    import jax
    _d = setup_inputs()
    print(jax.jit(kernel)(*tuple(_d.values())))

</pallas_src>

<mosaic_0001>
#map = affine_map<(d0, d1) -> (0, 0)>
#map1 = affine_map<(d0, d1) -> (0)>
#map2 = affine_map<(d0, d1) -> (0, 0, 0)>
module attributes {stable_mosaic.version = 14 : i64} {
  func.func @sc_body(%arg0: i32, %arg1: i32, %arg2: memref<8192x32xf32, #tpu.memory_space<hbm>>, %arg3: memref<4608xi32, #tpu.memory_space<hbm>>, %arg4: memref<8x576x32xf32, #tpu.memory_space<hbm>>, %arg5: memref<72xi32, #tpu.memory_space<vmem>>, %arg6: memref<72xi32, #tpu.memory_space<vmem>>, %arg7: memref<72x32xf32, #tpu.memory_space<vmem>>, %arg8: memref<72x32xf32, #tpu.memory_space<vmem>>, %arg9: memref<!tpu.dma_semaphore, #tpu.memory_space<semaphore_mem>>) attributes {dimension_semantics = [#tpu.dimension_semantics<core_parallel>, #tpu.dimension_semantics<subcore_parallel>], iteration_bounds = array<i64: 2, 16>, scalar_prefetch = 0 : i64, scratch_operands = 5 : i64, tpu.core_type = #tpu.core_type<sc_vector_subcore>, window_params = [{transform_indices = #map}, {transform_indices = #map1}, {transform_indices = #map2}]} {
    %mul3A = arith.constant 2 : i32
    %mul3A_0 = arith.muli %arg1, %mul3A : i32
    %add3A = arith.addi %mul3A_0, %arg0 : i32
    %jit3A = arith.constant 4 : i32
    %div3A = arith.divsi %add3A, %jit3A : i32
    %sign3A = arith.constant 0 : i32
    %sign3A_1 = arith.cmpi sgt, %add3A, %sign3A : i32
    %sign3A_2 = arith.extui %sign3A_1 : i1 to i32
    %sign3A_3 = arith.constant 0 : i32
    %sign3A_4 = arith.cmpi slt, %add3A, %sign3A_3 : i32
    %sign3A_5 = arith.extui %sign3A_4 : i1 to i32
    %sign3A_6 = arith.subi %sign3A_2, %sign3A_5 : i32
    %sign3A_7 = arith.constant 0 : i32
    %sign3A_8 = arith.cmpi sgt, %jit3A, %sign3A_7 : i32
    %sign3A_9 = arith.extui %sign3A_8 : i1 to i32
    %sign3A_10 = arith.constant 0 : i32
    %sign3A_11 = arith.cmpi slt, %jit3A, %sign3A_10 : i32
    %sign3A_12 = arith.extui %sign3A_11 : i1 to i32
    %sign3A_13 = arith.subi %sign3A_9, %sign3A_12 : i32
    %ne3A = arith.cmpi ne, %sign3A_6, %sign3A_13 : i32
    %rem3A = arith.remsi %add3A, %jit3A : i32
    %ne3A_14 = arith.constant 0 : i32
    %ne3A_15 = arith.cmpi ne, %rem3A, %ne3A_14 : i32
    %and3A = arith.andi %ne3A, %ne3A_15 : i1
    %sub3A = arith.constant 1 : i32
    %sub3A_16 = arith.subi %div3A, %sub3A : i32
    %select_n3A = arith.select %and3A, %sub3A_16, %div3A : i32
    %jit3A_17 = arith.constant 4 : i32
    %eq3A = arith.constant 0 : i32
    %eq3A_18 = arith.cmpi eq, %jit3A_17, %eq3A : i32
    %jit3A_19 = arith.constant 1 : i32
    %select_n3A_20 = arith.select %eq3A_18, %jit3A_19, %jit3A_17 : i32
    %rem3A_21 = arith.remsi %add3A, %select_n3A_20 : i32
    %ne3A_22 = arith.constant 0 : i32
    %ne3A_23 = arith.cmpi ne, %rem3A_21, %ne3A_22 : i32
    %lt3A = arith.constant 0 : i32
    %lt3A_24 = arith.cmpi slt, %rem3A_21, %lt3A : i32
    %lt3A_25 = arith.constant 0 : i32
    %lt3A_26 = arith.cmpi slt, %select_n3A_20, %lt3A_25 : i32
    %ne3A_27 = arith.xori %lt3A_24, %lt3A_26 : i1
    %and3A_28 = arith.andi %ne3A_27, %ne3A_23 : i1
    %add3A_29 = arith.addi %rem3A_21, %select_n3A_20 : i32
    %select_n3A_30 = arith.select %and3A_28, %add3A_29, %rem3A_21 : i32
    %mul3A_31 = arith.constant 144 : i32
    %mul3A_32 = arith.muli %select_n3A_30, %mul3A_31 : i32
    %mul3A_33 = arith.constant 576 : i32
    %mul3A_34 = arith.muli %select_n3A, %mul3A_33 : i32
    %add3A_35 = arith.addi %mul3A_34, %mul3A_32 : i32
    "tpu.region"() ({
      %run_scoped3A = tpu.sem_alloc : memref<!tpu.dma_semaphore, #tpu.memory_space<semaphore_mem>>
      %dma_start3A_50 = tpu.memref_slice %arg3[%add3A_35] : memref<4608xi32, #tpu.memory_space<hbm>> -> memref<72xi32, #tpu.memory_space<hbm>>
      %dma_start3A_51 = tpu.memref_slice %arg3[%add3A_35] : memref<4608xi32, #tpu.memory_space<hbm>> -> memref<72xi32, #tpu.memory_space<hbm>>
      tpu.enqueue_dma source(%dma_start3A_51 : memref<72xi32, #tpu.memory_space<hbm>>) target(%arg5 : memref<72xi32, #tpu.memory_space<vmem>>) target_semaphore(%run_scoped3A : memref<!tpu.dma_semaphore, #tpu.memory_space<semaphore_mem>>)
      %dma_wait3A_52 = tpu.memref_slice %arg3[%add3A_35] : memref<4608xi32, #tpu.memory_space<hbm>> -> memref<72xi32, #tpu.memory_space<hbm>>
      %dma_wait3A_53 = tpu.memref_slice %arg3[%add3A_35] : memref<4608xi32, #tpu.memory_space<hbm>> -> memref<72xi32, #tpu.memory_space<hbm>>
      tpu.wait_dma2 semaphore(%run_scoped3A : memref<!tpu.dma_semaphore, #tpu.memory_space<semaphore_mem>>) src(%dma_wait3A_53 : memref<72xi32, #tpu.memory_space<hbm>>) dst(%arg5 : memref<72xi32, #tpu.memory_space<vmem>>)
      tpu.yield
    }) : () -> ()
    %add3A_36 = arith.constant 72 : i32
    %add3A_37 = arith.addi %add3A_35, %add3A_36 : i32
    "tpu.region"() ({
      %run_scoped3A = tpu.sem_alloc : memref<!tpu.dma_semaphore, #tpu.memory_space<semaphore_mem>>
      %dma_start3A_50 = tpu.memref_slice %arg3[%add3A_37] : memref<4608xi32, #tpu.memory_space<hbm>> -> memref<72xi32, #tpu.memory_space<hbm>>
      %dma_start3A_51 = tpu.memref_slice %arg3[%add3A_37] : memref<4608xi32, #tpu.memory_space<hbm>> -> memref<72xi32, #tpu.memory_space<hbm>>
      tpu.enqueue_dma source(%dma_start3A_51 : memref<72xi32, #tpu.memory_space<hbm>>) target(%arg6 : memref<72xi32, #tpu.memory_space<vmem>>) target_semaphore(%run_scoped3A : memref<!tpu.dma_semaphore, #tpu.memory_space<semaphore_mem>>)
      %dma_wait3A_52 = tpu.memref_slice %arg3[%add3A_37] : memref<4608xi32, #tpu.memory_space<hbm>> -> memref<72xi32, #tpu.memory_space<hbm>>
      %dma_wait3A_53 = tpu.memref_slice %arg3[%add3A_37] : memref<4608xi32, #tpu.memory_space<hbm>> -> memref<72xi32, #tpu.memory_space<hbm>>
      tpu.wait_dma2 semaphore(%run_scoped3A : memref<!tpu.dma_semaphore, #tpu.memory_space<semaphore_mem>>) src(%dma_wait3A_53 : memref<72xi32, #tpu.memory_space<hbm>>) dst(%arg6 : memref<72xi32, #tpu.memory_space<vmem>>)
      tpu.yield
    }) : () -> ()
    %dma_start3A = arith.constant 0 : i32
    %dma_start3A_38 = arith.constant 0 : i32
    %dma_start3A_39 = tpu.memref_slice %arg2[%dma_start3A, %dma_start3A_38] : memref<8192x32xf32, #tpu.memory_space<hbm>> -> memref<8192x32xf32, #tpu.memory_space<hbm>>
    tpu.enqueue_indirect_dma source(%dma_start3A_39 : memref<8192x32xf32, #tpu.memory_space<hbm>>) target(%arg7 : memref<72x32xf32, #tpu.memory_space<vmem>>) offsets(%arg5 : memref<72xi32, #tpu.memory_space<vmem>>) semaphore(%arg9 : memref<!tpu.dma_semaphore, #tpu.memory_space<semaphore_mem>>)
    %dma_start3A_40 = arith.constant 0 : i32
    %dma_start3A_41 = arith.constant 0 : i32
    %dma_start3A_42 = tpu.memref_slice %arg2[%dma_start3A_40, %dma_start3A_41] : memref<8192x32xf32, #tpu.memory_space<hbm>> -> memref<8192x32xf32, #tpu.memory_space<hbm>>
    tpu.enqueue_indirect_dma source(%dma_start3A_42 : memref<8192x32xf32, #tpu.memory_space<hbm>>) target(%arg8 : memref<72x32xf32, #tpu.memory_space<vmem>>) offsets(%arg6 : memref<72xi32, #tpu.memory_space<vmem>>) semaphore(%arg9 : memref<!tpu.dma_semaphore, #tpu.memory_space<semaphore_mem>>)
    %dma_wait3A = arith.constant 0 : i32
    %dma_wait3A_43 = arith.constant 0 : i32
    %dma_wait3A_44 = tpu.memref_slice %arg2[%dma_wait3A, %dma_wait3A_43] : memref<8192x32xf32, #tpu.memory_space<hbm>> -> memref<8192x32xf32, #tpu.memory_space<hbm>>
    tpu.wait_indirect_dma semaphore(%arg9 : memref<!tpu.dma_semaphore, #tpu.memory_space<semaphore_mem>>) src(%dma_wait3A_44 : memref<8192x32xf32, #tpu.memory_space<hbm>>) dst(%arg7 : memref<72x32xf32, #tpu.memory_space<vmem>>)
    "tpu.region"() ({
      %run_scoped3A = tpu.sem_alloc : memref<!tpu.dma_semaphore, #tpu.memory_space<semaphore_mem>>
      %dma_start3A_50 = arith.constant 0 : i32
      %dma_start3A_51 = tpu.memref_slice %arg4[%select_n3A, %mul3A_32, %dma_start3A_50] : memref<8x576x32xf32, #tpu.memory_space<hbm>> -> memref<1x72x32xf32, #tpu.memory_space<hbm>>
      %dma_start3A_52 = tpu.memref_squeeze %dma_start3A_51 : memref<1x72x32xf32, #tpu.memory_space<hbm>> -> memref<72x32xf32, #tpu.memory_space<hbm>>
      %dma_start3A_53 = arith.constant 0 : i32
      %dma_start3A_54 = tpu.memref_slice %arg4[%select_n3A, %mul3A_32, %dma_start3A_53] : memref<8x576x32xf32, #tpu.memory_space<hbm>> -> memref<1x72x32xf32, #tpu.memory_space<hbm>>
      %dma_start3A_55 = tpu.memref_squeeze %dma_start3A_54 : memref<1x72x32xf32, #tpu.memory_space<hbm>> -> memref<72x32xf32, #tpu.memory_space<hbm>>
      tpu.enqueue_dma source(%arg7 : memref<72x32xf32, #tpu.memory_space<vmem>>) target(%dma_start3A_55 : memref<72x32xf32, #tpu.memory_space<hbm>>) target_semaphore(%run_scoped3A : memref<!tpu.dma_semaphore, #tpu.memory_space<semaphore_mem>>)
      %dma_wait3A_56 = arith.constant 0 : i32
      %dma_wait3A_57 = tpu.memref_slice %arg4[%select_n3A, %mul3A_32, %dma_wait3A_56] : memref<8x576x32xf32, #tpu.memory_space<hbm>> -> memref<1x72x32xf32, #tpu.memory_space<hbm>>
      %dma_wait3A_58 = tpu.memref_squeeze %dma_wait3A_57 : memref<1x72x32xf32, #tpu.memory_space<hbm>> -> memref<72x32xf32, #tpu.memory_space<hbm>>
      %dma_wait3A_59 = arith.constant 0 : i32
      %dma_wait3A_60 = tpu.memref_slice %arg4[%select_n3A, %mul3A_32, %dma_wait3A_59] : memref<8x576x32xf32, #tpu.memory_space<hbm>> -> memref<1x72x32xf32, #tpu.memory_space<hbm>>
      %dma_wait3A_61 = tpu.memref_squeeze %dma_wait3A_60 : memref<1x72x32xf32, #tpu.memory_space<hbm>> -> memref<72x32xf32, #tpu.memory_space<hbm>>
      tpu.wait_dma2 semaphore(%run_scoped3A : memref<!tpu.dma_semaphore, #tpu.memory_space<semaphore_mem>>) src(%arg7 : memref<72x32xf32, #tpu.memory_space<vmem>>) dst(%dma_wait3A_61 : memref<72x32xf32, #tpu.memory_space<hbm>>)
      tpu.yield
    }) : () -> ()
    %dma_wait3A_45 = arith.constant 0 : i32
    %dma_wait3A_46 = arith.constant 0 : i32
    %dma_wait3A_47 = tpu.memref_slice %arg2[%dma_wait3A_45, %dma_wait3A_46] : memref<8192x32xf32, #tpu.memory_space<hbm>> -> memref<8192x32xf32, #tpu.memory_space<hbm>>
    tpu.wait_indirect_dma semaphore(%arg9 : memref<!tpu.dma_semaphore, #tpu.memory_space<semaphore_mem>>) src(%dma_wait3A_47 : memref<8192x32xf32, #tpu.memory_space<hbm>>) dst(%arg8 : memref<72x32xf32, #tpu.memory_space<vmem>>)
    %add3A_48 = arith.constant 72 : i32
    %add3A_49 = arith.addi %mul3A_32, %add3A_48 : i32
    "tpu.region"() ({
      %run_scoped3A = tpu.sem_alloc : memref<!tpu.dma_semaphore, #tpu.memory_space<semaphore_mem>>
      %dma_start3A_50 = arith.constant 0 : i32
      %dma_start3A_51 = tpu.memref_slice %arg4[%select_n3A, %add3A_49, %dma_start3A_50] : memref<8x576x32xf32, #tpu.memory_space<hbm>> -> memref<1x72x32xf32, #tpu.memory_space<hbm>>
      %dma_start3A_52 = tpu.memref_squeeze %dma_start3A_51 : memref<1x72x32xf32, #tpu.memory_space<hbm>> -> memref<72x32xf32, #tpu.memory_space<hbm>>
      %dma_start3A_53 = arith.constant 0 : i32
      %dma_start3A_54 = tpu.memref_slice %arg4[%select_n3A, %add3A_49, %dma_start3A_53] : memref<8x576x32xf32, #tpu.memory_space<hbm>> -> memref<1x72x32xf32, #tpu.memory_space<hbm>>
      %dma_start3A_55 = tpu.memref_squeeze %dma_start3A_54 : memref<1x72x32xf32, #tpu.memory_space<hbm>> -> memref<72x32xf32, #tpu.memory_space<hbm>>
      tpu.enqueue_dma source(%arg8 : memref<72x32xf32, #tpu.memory_space<vmem>>) target(%dma_start3A_55 : memref<72x32xf32, #tpu.memory_space<hbm>>) target_semaphore(%run_scoped3A : memref<!tpu.dma_semaphore, #tpu.memory_space<semaphore_mem>>)
      %dma_wait3A_56 = arith.constant 0 : i32
      %dma_wait3A_57 = tpu.memref_slice %arg4[%select_n3A, %add3A_49, %dma_wait3A_56] : memref<8x576x32xf32, #tpu.memory_space<hbm>> -> memref<1x72x32xf32, #tpu.memory_space<hbm>>
      %dma_wait3A_58 = tpu.memref_squeeze %dma_wait3A_57 : memref<1x72x32xf32, #tpu.memory_space<hbm>> -> memref<72x32xf32, #tpu.memory_space<hbm>>
      %dma_wait3A_59 = arith.constant 0 : i32
      %dma_wait3A_60 = tpu.memref_slice %arg4[%select_n3A, %add3A_49, %dma_wait3A_59] : memref<8x576x32xf32, #tpu.memory_space<hbm>> -> memref<1x72x32xf32, #tpu.memory_space<hbm>>
      %dma_wait3A_61 = tpu.memref_squeeze %dma_wait3A_60 : memref<1x72x32xf32, #tpu.memory_space<hbm>> -> memref<72x32xf32, #tpu.memory_space<hbm>>
      tpu.wait_dma2 semaphore(%run_scoped3A : memref<!tpu.dma_semaphore, #tpu.memory_space<semaphore_mem>>) src(%arg8 : memref<72x32xf32, #tpu.memory_space<vmem>>) dst(%dma_wait3A_61 : memref<72x32xf32, #tpu.memory_space<hbm>>)
      tpu.yield
    }) : () -> ()
    return
  }
}

module attributes {stable_mosaic.version = 14 : i64} {
  func.func @_tc_argmin_body(%arg0: i32, %arg1: memref<4x576x32xf32, #tpu.memory_space<vmem>>, %arg2: memref<32x8192xf32, #tpu.memory_space<vmem>>, %arg3: memref<8x576xi32, #tpu.memory_space<vmem>>, %arg4: memref<4608xi32, #tpu.memory_space<vmem>>, %arg5: memref<1x1xf32, #tpu.memory_space<vmem>>) attributes {dimension_semantics = [#tpu.dimension_semantics<arbitrary>], iteration_bounds = array<i64: 2>, scalar_prefetch = 0 : i64, scratch_operands = 0 : i64, tpu.core_type = #tpu.core_type<tc>, window_params = [{transform_indices = @transform_0, window_bounds = array<i64: 4, 576, 32>}, {pipeline_mode = #tpu.pipeline_mode<synchronous>, transform_indices = @transform_1, window_bounds = array<i64: 32, 8192>}, {pipeline_mode = #tpu.pipeline_mode<synchronous>, transform_indices = @transform_2, window_bounds = array<i64: 8, 576>}, {pipeline_mode = #tpu.pipeline_mode<synchronous>, transform_indices = @transform_3, window_bounds = array<i64: 4608>}, {pipeline_mode = #tpu.pipeline_mode<synchronous>, transform_indices = @transform_4, window_bounds = array<i64: 1, 1>}]} {
    %get3A = arith.constant 0 : index
    %get3A_0 = arith.constant 0 : index
    %get3A_1 = arith.constant 0 : index
    %get3A_2 = vector.load %arg1[%get3A, %get3A_0, %get3A_1] : memref<4x576x32xf32, #tpu.memory_space<vmem>>, vector<4x576x32xf32>
    %reshape3A = vector.shape_cast %get3A_2 : vector<4x576x32xf32> to vector<2304x32xf32>
    %add3A = arith.addf %reshape3A, %reshape3A : vector<2304x32xf32>
    %mul3A = arith.mulf %reshape3A, %reshape3A : vector<2304x32xf32>
    %reduce_sum3A = arith.constant dense<0.000000e+00> : vector<2304xf32>
    %reduce_sum3A_3 = vector.multi_reduction <add>, %mul3A, %reduce_sum3A [1] : vector<2304x32xf32> to vector<2304xf32>
    %broadcast_in_dim3A = vector.shape_cast %reduce_sum3A_3 : vector<2304xf32> to vector<2304x1xf32>
    %get3A_4 = arith.constant 0 : index
    %get3A_5 = arith.constant 0 : index
    %get3A_6 = vector.load %arg2[%get3A_4, %get3A_5] : memref<32x8192xf32, #tpu.memory_space<vmem>>, vector<32x8192xf32>
    %mul3A_7 = arith.mulf %get3A_6, %get3A_6 : vector<32x8192xf32>
    %reduce_sum3A_8 = arith.constant dense<0.000000e+00> : vector<8192xf32>
    %reduce_sum3A_9 = vector.multi_reduction <add>, %mul3A_7, %reduce_sum3A_8 [0] : vector<32x8192xf32> to vector<8192xf32>
    %broadcast_in_dim3A_10 = vector.shape_cast %reduce_sum3A_9 : vector<8192xf32> to vector<1x8192xf32>
    %slice3A = vector.extract_strided_slice %get3A_6 {offsets = [0, 0], sizes = [32, 4096], strides = [1, 1]} : vector<32x8192xf32> to vector<32x4096xf32>
    %dot_general3A = arith.constant dense<0.000000e+00> : vector<2304x4096xf32>
    %dot_general3A_11 = tpu.matmul %add3A, %slice3A, %dot_general3A {dimension_numbers = #tpu.dot_dimension_numbers<[1], [0], [0], [1], [0, 0, 1, 1], [], []>, transpose_lhs_hint = false} : vector<2304x32xf32>, vector<32x4096xf32>, vector<2304x4096xf32> -> vector<2304x4096xf32>
    %slice3A_12 = vector.extract_strided_slice %dot_general3A_11 {offsets = [0, 0], sizes = [2304, 128], strides = [1, 1]} : vector<2304x4096xf32> to vector<2304x128xf32>
    %sub3A = vector.broadcast %broadcast_in_dim3A : vector<2304x1xf32> to vector<2304x128xf32>
    %sub3A_13 = arith.subf %sub3A, %slice3A_12 : vector<2304x128xf32>
    %slice3A_14 = vector.extract_strided_slice %broadcast_in_dim3A_10 {offsets = [0, 0], sizes = [1, 128], strides = [1, 1]} : vector<1x8192xf32> to vector<1x128xf32>
    %add3A_15 = vector.broadcast %slice3A_14 : vector<1x128xf32> to vector<2304x128xf32>
    %add3A_16 = arith.addf %sub3A_13, %add3A_15 : vector<2304x128xf32>
    %broadcast_in_dim3A_17 = arith.constant 0.000000e+00 : f32
    %broadcast_in_dim3A_18 = vector.broadcast %broadcast_in_dim3A_17 : f32 to vector<2304x128xf32>
    %slice3A_19 = vector.extract_strided_slice %dot_general3A_11 {offsets = [0, 128], sizes = [2304, 128], strides = [1, 1]} : vector<2304x4096xf32> to vector<2304x128xf32>
    %sub3A_20 = vector.broadcast %broadcast_in_dim3A : vector<2304x1xf32> to vector<2304x128xf32>
    %sub3A_21 = arith.subf %sub3A_20, %slice3A_19 : vector<2304x128xf32>
    %slice3A_22 = vector.extract_strided_slice %broadcast_in_dim3A_10 {offsets = [0, 128], sizes = [1, 128], strides = [1, 1]} : vector<1x8192xf32> to vector<1x128xf32>
    %add3A_23 = vector.broadcast %slice3A_22 : vector<1x128xf32> to vector<2304x128xf32>
    %add3A_24 = arith.addf %sub3A_21, %add3A_23 : vector<2304x128xf32>
    %lt3A = arith.cmpf olt, %add3A_24, %add3A_16 : vector<2304x128xf32>
    %min3A = arith.minimumf %add3A_16, %add3A_24 : vector<2304x128xf32>
    %jit3A = arith.constant 1.000000e+00 : f32
    %broadcast_in_dim3A_25 = vector.broadcast %jit3A : f32 to vector<2304x128xf32>
    %select_n3A = arith.select %lt3A, %broadcast_in_dim3A_25, %broadcast_in_dim3A_18 : vector<2304x128xi1>, vector<2304x128xf32>
    %slice3A_26 = vector.extract_strided_slice %dot_general3A_11 {offsets = [0, 256], sizes = [2304, 128], strides = [1, 1]} : vector<2304x4096xf32> to vector<2304x128xf32>
    %sub3A_27 = vector.broadcast %broadcast_in_dim3A : vector<2304x1xf32> to vector<2304x128xf32>
    %sub3A_28 = arith.subf %sub3A_27, %slice3A_26 : vector<2304x128xf32>
    %slice3A_29 = vector.extract_strided_slice %broadcast_in_dim3A_10 {offsets = [0, 256], sizes = [1, 128], strides = [1, 1]} : vector<1x8192xf32> to vector<1x128xf32>
    %add3A_30 = vector.broadcast %slice3A_29 : vector<1x128xf32> to vector<2304x128xf32>
    %add3A_31 = arith.addf %sub3A_28, %add3A_30 : vector<2304x128xf32>
    %lt3A_32 = arith.cmpf olt, %add3A_31, %min3A : vector<2304x128xf32>
    %min3A_33 = arith.minimumf %min3A, %add3A_31 : vector<2304x128xf32>
    %jit3A_34 = arith.constant 2.000000e+00 : f32
    %broadcast_in_dim3A_35 = vector.broadcast %jit3A_34 : f32 to vector<2304x128xf32>
    %select_n3A_36 = arith.select %lt3A_32, %broadcast_in_dim3A_35, %select_n3A : vector<2304x128xi1>, vector<2304x128xf32>
    %slice3A_37 = vector.extract_strided_slice %dot_general3A_11 {offsets = [0, 384], sizes = [2304, 128], strides = [1, 1]} : vector<2304x4096xf32> to vector<2304x128xf32>
    %sub3A_38 = vector.broadcast %broadcast_in_dim3A : vector<2304x1xf32> to vector<2304x128xf32>
    %sub3A_39 = arith.subf %sub3A_38, %slice3A_37 : vector<2304x128xf32>
    %slice3A_40 = vector.extract_strided_slice %broadcast_in_dim3A_10 {offsets = [0, 384], sizes = [1, 128], strides = [1, 1]} : vector<1x8192xf32> to vector<1x128xf32>
    %add3A_41 = vector.broadcast %slice3A_40 : vector<1x128xf32> to vector<2304x128xf32>
    %add3A_42 = arith.addf %sub3A_39, %add3A_41 : vector<2304x128xf32>
    %lt3A_43 = arith.cmpf olt, %add3A_42, %min3A_33 : vector<2304x128xf32>
    %min3A_44 = arith.minimumf %min3A_33, %add3A_42 : vector<2304x128xf32>
    %jit3A_45 = arith.constant 3.000000e+00 : f32
    %broadcast_in_dim3A_46 = vector.broadcast %jit3A_45 : f32 to vector<2304x128xf32>
    %select_n3A_47 = arith.select %lt3A_43, %broadcast_in_dim3A_46, %select_n3A_36 : vector<2304x128xi1>, vector<2304x128xf32>
    %slice3A_48 = vector.extract_strided_slice %dot_general3A_11 {offsets = [0, 512], sizes = [2304, 128], strides = [1, 1]} : vector<2304x4096xf32> to vector<2304x128xf32>
    %sub3A_49 = vector.broadcast %broadcast_in_dim3A : vector<2304x1xf32> to vector<2304x128xf32>
    %sub3A_50 = arith.subf %sub3A_49, %slice3A_48 : vector<2304x128xf32>
    %slice3A_51 = vector.extract_strided_slice %broadcast_in_dim3A_10 {offsets = [0, 512], sizes = [1, 128], strides = [1, 1]} : vector<1x8192xf32> to vector<1x128xf32>
    %add3A_52 = vector.broadcast %slice3A_51 : vector<1x128xf32> to vector<2304x128xf32>
    %add3A_53 = arith.addf %sub3A_50, %add3A_52 : vector<2304x128xf32>
    %lt3A_54 = arith.cmpf olt, %add3A_53, %min3A_44 : vector<2304x128xf32>
    %min3A_55 = arith.minimumf %min3A_44, %add3A_53 : vector<2304x128xf32>
    %jit3A_56 = arith.constant 4.000000e+00 : f32
    %broadcast_in_dim3A_57 = vector.broadcast %jit3A_56 : f32 to vector<2304x128xf32>
    %select_n3A_58 = arith.select %lt3A_54, %broadcast_in_dim3A_57, %select_n3A_47 : vector<2304x128xi1>, vector<2304x128xf32>
    %slice3A_59 = vector.extract_strided_slice %dot_general3A_11 {offsets = [0, 640], sizes = [2304, 128], strides = [1, 1]} : vector<2304x4096xf32> to vector<2304x128xf32>
    %sub3A_60 = vector.broadcast %broadcast_in_dim3A : vector<2304x1xf32> to vector<2304x128xf32>
    %sub3A_61 = arith.subf %sub3A_60, %slice3A_59 : vector<2304x128xf32>
    %slice3A_62 = vector.extract_strided_slice %broadcast_in_dim3A_10 {offsets = [0, 640], sizes = [1, 128], strides = [1, 1]} : vector<1x8192xf32> to vector<1x128xf32>
    %add3A_63 = vector.broadcast %slice3A_62 : vector<1x128xf32> to vector<2304x128xf32>
    %add3A_64 = arith.addf %sub3A_61, %add3A_63 : vector<2304x128xf32>
    %lt3A_65 = arith.cmpf olt, %add3A_64, %min3A_55 : vector<2304x128xf32>
    %min3A_66 = arith.minimumf %min3A_55, %add3A_64 : vector<2304x128xf32>
    %jit3A_67 = arith.constant 5.000000e+00 : f32
    %broadcast_in_dim3A_68 = vector.broadcast %jit3A_67 : f32 to vector<2304x128xf32>
    %select_n3A_69 = arith.select %lt3A_65, %broadcast_in_dim3A_68, %select_n3A_58 : vector<2304x128xi1>, vector<2304x128xf32>
    %slice3A_70 = vector.extract_strided_slice %dot_general3A_11 {offsets = [0, 768], sizes = [2304, 128], strides = [1, 1]} : vector<2304x4096xf32> to vector<2304x128xf32>
    %sub3A_71 = vector.broadcast %broadcast_in_dim3A : vector<2304x1xf32> to vector<2304x128xf32>
    %sub3A_72 = arith.subf %sub3A_71, %slice3A_70 : vector<2304x128xf32>
    %slice3A_73 = vector.extract_strided_slice %broadcast_in_dim3A_10 {offsets = [0, 768], sizes = [1, 128], strides = [1, 1]} : vector<1x8192xf32> to vector<1x128xf32>
    %add3A_74 = vector.broadcast %slice3A_73 : vector<1x128xf32> to vector<2304x128xf32>
    %add3A_75 = arith.addf %sub3A_72, %add3A_74 : vector<2304x128xf32>
    %lt3A_76 = arith.cmpf olt, %add3A_75, %min3A_66 : vector<2304x128xf32>
    %min3A_77 = arith.minimumf %min3A_66, %add3A_75 : vector<2304x128xf32>
    %jit3A_78 = arith.constant 6.000000e+00 : f32
    %broadcast_in_dim3A_79 = vector.broadcast %jit3A_78 : f32 to vector<2304x128xf32>
    %select_n3A_80 = arith.select %lt3A_76, %broadcast_in_dim3A_79, %select_n3A_69 : vector<2304x128xi1>, vector<2304x128xf32>
    %slice3A_81 = vector.extract_strided_slice %dot_general3A_11 {offsets = [0, 896], sizes = [2304, 128], strides = [1, 1]} : vector<2304x4096xf32> to vector<2304x128xf32>
    %sub3A_82 = vector.broadcast %broadcast_in_dim3A : vector<2304x1xf32> to vector<2304x128xf32>
    %sub3A_83 = arith.subf %sub3A_82, %slice3A_81 : vector<2304x128xf32>
    %slice3A_84 = vector.extract_strided_slice %broadcast_in_dim3A_10 {offsets = [0, 896], sizes = [1, 128], strides = [1, 1]} : vector<1x8192xf32> to vector<1x128xf32>
    %add3A_85 = vector.broadcast %slice3A_84 : vector<1x128xf32> to vector<2304x128xf32>
    %add3A_86 = arith.addf %sub3A_83, %add3A_85 : vector<2304x128xf32>
    %lt3A_87 = arith.cmpf olt, %add3A_86, %min3A_77 : vector<2304x128xf32>
    %min3A_88 = arith.minimumf %min3A_77, %add3A_86 : vector<2304x128xf32>
    %jit3A_89 = arith.constant 7.000000e+00 : f32
    %broadcast_in_dim3A_90 = vector.broadcast %jit3A_89 : f32 to vector<2304x128xf32>
    %select_n3A_91 = arith.select %lt3A_87, %broadcast_in_dim3A_90, %select_n3A_80 : vector<2304x128xi1>, vector<2304x128xf32>
    %slice3A_92 = vector.extract_strided_slice %dot_general3A_11 {offsets = [0, 1024], sizes = [2304, 128], strides = [1, 1]} : vector<2304x4096xf32> to vector<2304x128xf32>
    %sub3A_93 = vector.broadcast %broadcast_in_dim3A : vector<2304x1xf32> to vector<2304x128xf32>
    %sub3A_94 = arith.subf %sub3A_93, %slice3A_92 : vector<2304x128xf32>
    %slice3A_95 = vector.extract_strided_slice %broadcast_in_dim3A_10 {offsets = [0, 1024], sizes = [1, 128], strides = [1, 1]} : vector<1x8192xf32> to vector<1x128xf32>
    %add3A_96 = vector.broadcast %slice3A_95 : vector<1x128xf32> to vector<2304x128xf32>
    %add3A_97 = arith.addf %sub3A_94, %add3A_96 : vector<2304x128xf32>
    %lt3A_98 = arith.cmpf olt, %add3A_97, %min3A_88 : vector<2304x128xf32>
    %min3A_99 = arith.minimumf %min3A_88, %add3A_97 : vector<2304x128xf32>
    %jit3A_100 = arith.constant 8.000000e+00 : f32
    %broadcast_in_dim3A_101 = vector.broadcast %jit3A_100 : f32 to vector<2304x128xf32>
    %select_n3A_102 = arith.select %lt3A_98, %broadcast_in_dim3A_101, %select_n3A_91 : vector<2304x128xi1>, vector<2304x128xf32>
    %slice3A_103 = vector.extract_strided_slice %dot_general3A_11 {offsets = [0, 1152], sizes = [2304, 128], strides = [1, 1]} : vector<2304x4096xf32> to vector<2304x128xf32>
    %sub3A_104 = vector.broadcast %broadcast_in_dim3A : vector<2304x1xf32> to vector<2304x128xf32>
    %sub3A_105 = arith.subf %sub3A_104, %slice3A_103 : vector<2304x128xf32>
    %slice3A_106 = vector.extract_strided_slice %broadcast_in_dim3A_10 {offsets = [0, 1152], sizes = [1, 128], strides = [1, 1]} : vector<1x8192xf32> to vector<1x128xf32>
    %add3A_107 = vector.broadcast %slice3A_106 : vector<1x128xf32> to vector<2304x128xf32>
    %add3A_108 = arith.addf %sub3A_105, %add3A_107 : vector<2304x128xf32>
    %lt3A_109 = arith.cmpf olt, %add3A_108, %min3A_99 : vector<2304x128xf32>
    %min3A_110 = arith.minimumf %min3A_99, %add3A_108 : vector<2304x128xf32>
    %jit3A_111 = arith.constant 9.000000e+00 : f32
    %broadcast_in_dim3A_112 = vector.broadcast %jit3A_111 : f32 to vector<2304x128xf32>
    %select_n3A_113 = arith.select %lt3A_109, %broadcast_in_dim3A_112, %select_n3A_102 : vector<2304x128xi1>, vector<2304x128xf32>
    %slice3A_114 = vector.extract_strided_slice %dot_general3A_11 {offsets = [0, 1280], sizes = [2304, 128], strides = [1, 1]} : vector<2304x4096xf32> to vector<2304x128xf32>
    %sub3A_115 = vector.broadcast %broadcast_in_dim3A : vector<2304x1xf32> to vector<2304x128xf32>
    %sub3A_116 = arith.subf %sub3A_115, %slice3A_114 : vector<2304x128xf32>
    %slice3A_117 = vector.extract_strided_slice %broadcast_in_dim3A_10 {offsets = [0, 1280], sizes = [1, 128], strides = [1, 1]} : vector<1x8192xf32> to vector<1x128xf32>
    %add3A_118 = vector.broadcast %slice3A_117 : vector<1x128xf32> to vector<2304x128xf32>
    %add3A_119 = arith.addf %sub3A_116, %add3A_118 : vector<2304x128xf32>
    %lt3A_120 = arith.cmpf olt, %add3A_119, %min3A_110 : vector<2304x128xf32>
    %min3A_121 = arith.minimumf %min3A_110, %add3A_119 : vector<2304x128xf32>
    %jit3A_122 = arith.constant 1.000000e+01 : f32
    %broadcast_in_dim3A_123 = vector.broadcast %jit3A_122 : f32 to vector<2304x128xf32>
    %select_n3A_124 = arith.select %lt3A_120, %broadcast_in_dim3A_123, %select_n3A_113 : vector<2304x128xi1>, vector<2304x128xf32>
    %slice3A_125 = vector.extract_strided_slice %dot_general3A_11 {offsets = [0, 1408], sizes = [2304, 128], strides = [1, 1]} : vector<2304x4096xf32> to vector<2304x128xf32>
    %sub3A_126 = vector.broadcast %broadcast_in_dim3A : vector<2304x1xf32> to vector<2304x128xf32>
    %sub3A_127 = arith.subf %sub3A_126, %slice3A_125 : vector<2304x128xf32>
    %slice3A_128 = vector.extract_strided_slice %broadcast_in_dim3A_10 {offsets = [0, 1408], sizes = [1, 128], strides = [1, 1]} : vector<1x8192xf32> to vector<1x128xf32>
    %add3A_129 = vector.broadcast %slice3A_128 : vector<1x128xf32> to vector<2304x128xf32>
    %add3A_130 = arith.addf %sub3A_127, %add3A_129 : vector<2304x128xf32>
    %lt3A_131 = arith.cmpf olt, %add3A_130, %min3A_121 : vector<2304x128xf32>
    %min3A_132 = arith.minimumf %min3A_121, %add3A_130 : vector<2304x128xf32>
    %jit3A_133 = arith.constant 1.100000e+01 : f32
    %broadcast_in_dim3A_134 = vector.broadcast %jit3A_133 : f32 to vector<2304x128xf32>
    %select_n3A_135 = arith.select %lt3A_131, %broadcast_in_dim3A_134, %select_n3A_124 : vector<2304x128xi1>, vector<2304x128xf32>
    %slice3A_136 = vector.extract_strided_slice %dot_general3A_11 {offsets = [0, 1536], sizes = [2304, 128], strides = [1, 1]} : vector<2304x4096xf32> to vector<2304x128xf32>
    %sub3A_137 = vector.broadcast %broadcast_in_dim3A : vector<2304x1xf32> to vector<2304x128xf32>
    %sub3A_138 = arith.subf %sub3A_137, %slice3A_136 : vector<2304x128xf32>
    %slice3A_139 = vector.extract_strided_slice %broadcast_in_dim3A_10 {offsets = [0, 1536], sizes = [1, 128], strides = [1, 1]} : vector<1x8192xf32> to vector<1x128xf32>
    %add3A_140 = vector.broadcast %slice3A_139 : vector<1x128xf32> to vector<2304x128xf32>
    %add3A_141 = arith.addf %sub3A_138, %add3A_140 : vector<2304x128xf32>
    %lt3A_142 = arith.cmpf olt, %add3A_141, %min3A_132 : vector<2304x128xf32>
    %min3A_143 = arith.minimumf %min3A_132, %add3A_141 : vector<2304x128xf32>
    %jit3A_144 = arith.constant 1.200000e+01 : f32
    %broadcast_in_dim3A_145 = vector.broadcast %jit3A_144 : f32 to vector<2304x128xf32>
    %select_n3A_146 = arith.select %lt3A_142, %broadcast_in_dim3A_145, %select_n3A_135 : vector<2304x128xi1>, vector<2304x128xf32>
    %slice3A_147 = vector.extract_strided_slice %dot_general3A_11 {offsets = [0, 1664], sizes = [2304, 128], strides = [1, 1]} : vector<2304x4096xf32> to vector<2304x128xf32>
    %sub3A_148 = vector.broadcast %broadcast_in_dim3A : vector<2304x1xf32> to vector<2304x128xf32>
    %sub3A_149 = arith.subf %sub3A_148, %slice3A_147 : vector<2304x128xf32>
    %slice3A_150 = vector.extract_strided_slice %broadcast_in_dim3A_10 {offsets = [0, 1664], sizes = [1, 128], strides = [1, 1]} : vector<1x8192xf32> to vector<1x128xf32>
    %add3A_151 = vector.broadcast %slice3A_150 : vector<1x128xf32> to vector<2304x128xf32>
    %add3A_152 = arith.addf %sub3A_149, %add3A_151 : vector<2304x128xf32>
    %lt3A_153 = arith.cmpf olt, %add3A_152, %min3A_143 : vector<2304x128xf32>
    %min3A_154 = arith.minimumf %min3A_143, %add3A_152 : vector<2304x128xf32>
    %jit3A_155 = arith.constant 1.300000e+01 : f32
    %broadcast_in_dim3A_156 = vector.broadcast %jit3A_155 : f32 to vector<2304x128xf32>
    %select_n3A_157 = arith.select %lt3A_153, %broadcast_in_dim3A_156, %select_n3A_146 : vector<2304x128xi1>, vector<2304x128xf32>
    %slice3A_158 = vector.extract_strided_slice %dot_general3A_11 {offsets = [0, 1792], sizes = [2304, 128], strides = [1, 1]} : vector<2304x4096xf32> to vector<2304x128xf32>
    %sub3A_159 = vector.broadcast %broadcast_in_dim3A : vector<2304x1xf32> to vector<2304x128xf32>
    %sub3A_160 = arith.subf %sub3A_159, %slice3A_158 : vector<2304x128xf32>
    %slice3A_161 = vector.extract_strided_slice %broadcast_in_dim3A_10 {offsets = [0, 1792], sizes = [1, 128], strides = [1, 1]} : vector<1x8192xf32> to vector<1x128xf32>
    %add3A_162 = vector.broadcast %slice3A_161 : vector<1x128xf32> to vector<2304x128xf32>
    %add3A_163 = arith.addf %sub3A_160, %add3A_162 : vector<2304x128xf32>
    %lt3A_164 = arith.cmpf olt, %add3A_163, %min3A_154 : vector<2304x128xf32>
    %min3A_165 = arith.minimumf %min3A_154, %add3A_163 : vector<2304x128xf32>
    %jit3A_166 = arith.constant 1.400000e+01 : f32
    %broadcast_in_dim3A_167 = vector.broadcast %jit3A_166 : f32 to vector<2304x128xf32>
    %select_n3A_168 = arith.select %lt3A_164, %broadcast_in_dim3A_167, %select_n3A_157 : vector<2304x128xi1>, vector<2304x128xf32>
    %slice3A_169 = vector.extract_strided_slice %dot_general3A_11 {offsets = [0, 1920], sizes = [2304, 128], strides = [1, 1]} : vector<2304x4096xf32> to vector<2304x128xf32>
    %sub3A_170 = vector.broadcast %broadcast_in_dim3A : vector<2304x1xf32> to vector<2304x128xf32>
    %sub3A_171 = arith.subf %sub3A_170, %slice3A_169 : vector<2304x128xf32>
    %slice3A_172 = vector.extract_strided_slice %broadcast_in_dim3A_10 {offsets = [0, 1920], sizes = [1, 128], strides = [1, 1]} : vector<1x8192xf32> to vector<1x128xf32>
    %add3A_173 = vector.broadcast %slice3A_172 : vector<1x128xf32> to vector<2304x128xf32>
    %add3A_174 = arith.addf %sub3A_171, %add3A_173 : vector<2304x128xf32>
    %lt3A_175 = arith.cmpf olt, %add3A_174, %min3A_165 : vector<2304x128xf32>
    %min3A_176 = arith.minimumf %min3A_165, %add3A_174 : vector<2304x128xf32>
    %jit3A_177 = arith.constant 1.500000e+01 : f32
    %broadcast_in_dim3A_178 = vector.broadcast %jit3A_177 : f32 to vector<2304x128xf32>
    %select_n3A_179 = arith.select %lt3A_175, %broadcast_in_dim3A_178, %select_n3A_168 : vector<2304x128xi1>, vector<2304x128xf32>
    %slice3A_180 = vector.extract_strided_slice %dot_general3A_11 {offsets = [0, 2048], sizes = [2304, 128], strides = [1, 1]} : vector<2304x4096xf32> to vector<2304x128xf32>
    %sub3A_181 = vector.broadcast %broadcast_in_dim3A : vector<2304x1xf32> to vector<2304x128xf32>
    %sub3A_182 = arith.subf %sub3A_181, %slice3A_180 : vector<2304x128xf32>
    %slice3A_183 = vector.extract_strided_slice %broadcast_in_dim3A_10 {offsets = [0, 2048], sizes = [1, 128], strides = [1, 1]} : vector<1x8192xf32> to vector<1x128xf32>
    %add3A_184 = vector.broadcast %slice3A_183 : vector<1x128xf32> to vector<2304x128xf32>
    %add3A_185 = arith.addf %sub3A_182, %add3A_184 : vector<2304x128xf32>
    %lt3A_186 = arith.cmpf olt, %add3A_185, %min3A_176 : vector<2304x128xf32>
    %min3A_187 = arith.minimumf %min3A_176, %add3A_185 : vector<2304x128xf32>
    %jit3A_188 = arith.constant 1.600000e+01 : f32
    %broadcast_in_dim3A_189 = vector.broadcast %jit3A_188 : f32 to vector<2304x128xf32>
    %select_n3A_190 = arith.select %lt3A_186, %broadcast_in_dim3A_189, %select_n3A_179 : vector<2304x128xi1>, vector<2304x128xf32>
    %slice3A_191 = vector.extract_strided_slice %dot_general3A_11 {offsets = [0, 2176], sizes = [2304, 128], strides = [1, 1]} : vector<2304x4096xf32> to vector<2304x128xf32>
    %sub3A_192 = vector.broadcast %broadcast_in_dim3A : vector<2304x1xf32> to vector<2304x128xf32>
    %sub3A_193 = arith.subf %sub3A_192, %slice3A_191 : vector<2304x128xf32>
    %slice3A_194 = vector.extract_strided_slice %broadcast_in_dim3A_10 {offsets = [0, 2176], sizes = [1, 128], strides = [1, 1]} : vector<1x8192xf32> to vector<1x128xf32>
    %add3A_195 = vector.broadcast %slice3A_194 : vector<1x128xf32> to vector<2304x128xf32>
    %add3A_196 = arith.addf %sub3A_193, %add3A_195 : vector<2304x128xf32>
    %lt3A_197 = arith.cmpf olt, %add3A_196, %min3A_187 : vector<2304x128xf32>
    %min3A_198 = arith.minimumf %min3A_187, %add3A_196 : vector<2304x128xf32>
    %jit3A_199 = arith.constant 1.700000e+01 : f32
    %broadcast_in_dim3A_200 = vector.broadcast %jit3A_199 : f32 to vector<2304x128xf32>
    %select_n3A_201 = arith.select %lt3A_197, %broadcast_in_dim3A_200, %select_n3A_190 : vector<2304x128xi1>, vector<2304x128xf32>
    %slice3A_202 = vector.extract_strided_slice %dot_general3A_11 {offsets = [0, 2304], sizes = [2304, 128], strides = [1, 1]} : vector<2304x4096xf32> to vector<2304x128xf32>
    %sub3A_203 = vector.broadcast %broadcast_in_dim3A : vector<2304x1xf32> to vector<2304x128xf32>
    %sub3A_204 = arith.subf %sub3A_203, %slice3A_202 : vector<2304x128xf32>
    %slice3A_205 = vector.extract_strided_slice %broadcast_in_dim3A_10 {offsets = [0, 2304], sizes = [1, 128], strides = [1, 1]} : vector<1x8192xf32> to vector<1x128xf32>
    %add3A_206 = vector.broadcast %slice3A_205 : vector<1x128xf32> to vector<2304x128xf32>
    %add3A_207 = arith.addf %sub3A_204, %add3A_206 : vector<2304x128xf32>
    %lt3A_208 = arith.cmpf olt, %add3A_207, %min3A_198 : vector<2304x128xf32>
    %min3A_209 = arith.minimumf %min3A_198, %add3A_207 : vector<2304x128xf32>
    %jit3A_210 = arith.constant 1.800000e+01 : f32
    %broadcast_in_dim3A_211 = vector.broadcast %jit3A_210 : f32 to vector<2304x128xf32>
    %select_n3A_212 = arith.select %lt3A_208, %broadcast_in_dim3A_211, %select_n3A_201 : vector<2304x128xi1>, vector<2304x128xf32>
    %slice3A_213 = vector.extract_strided_slice %dot_general3A_11 {offsets = [0, 2432], sizes = [2304, 128], strides = [1, 1]} : vector<2304x4096xf32> to vector<2304x128xf32>
    %sub3A_214 = vector.broadcast %broadcast_in_dim3A : vector<2304x1xf32> to vector<2304x128xf32>
    %sub3A_215 = arith.subf %sub3A_214, %slice3A_213 : vector<2304x128xf32>
    %slice3A_216 = vector.extract_strided_slice %broadcast_in_dim3A_10 {offsets = [0, 2432], sizes = [1, 128], strides = [1, 1]} : vector<1x8192xf32> to vector<1x128xf32>
    %add3A_217 = vector.broadcast %slice3A_216 : vector<1x128xf32> to vector<2304x128xf32>
    %add3A_218 = arith.addf %sub3A_215, %add3A_217 : vector<2304x128xf32>
    %lt3A_219 = arith.cmpf olt, %add3A_218, %min3A_209 : vector<2304x128xf32>
    %min3A_220 = arith.minimumf %min3A_209, %add3A_218 : vector<2304x128xf32>
    %jit3A_221 = arith.constant 1.900000e+01 : f32
    %broadcast_in_dim3A_222 = vector.broadcast %jit3A_221 : f32 to vector<2304x128xf32>
    %select_n3A_223 = arith.select %lt3A_219, %broadcast_in_dim3A_222, %select_n3A_212 : vector<2304x128xi1>, vector<2304x128xf32>
    %slice3A_224 = vector.extract_strided_slice %dot_general3A_11 {offsets = [0, 2560], sizes = [2304, 128], strides = [1, 1]} : vector<2304x4096xf32> to vector<2304x128xf32>
    %sub3A_225 = vector.broadcast %broadcast_in_dim3A : vector<2304x1xf32> to vector<2304x128xf32>
    %sub3A_226 = arith.subf %sub3A_225, %slice3A_224 : vector<2304x128xf32>
    %slice3A_227 = vector.extract_strided_slice %broadcast_in_dim3A_10 {offsets = [0, 2560], sizes = [1, 128], strides = [1, 1]} : vector<1x8192xf32> to vector<1x128xf32>
    %add3A_228 = vector.broadcast %slice3A_227 : vector<1x128xf32> to vector<2304x128xf32>
    %add3A_229 = arith.addf %sub3A_226, %add3A_228 : vector<2304x128xf32>
    %lt3A_230 = arith.cmpf olt, %add3A_229, %min3A_220 : vector<2304x128xf32>
    %min3A_231 = arith.minimumf %min3A_220, %add3A_229 : vector<2304x128xf32>
    %jit3A_232 = arith.constant 2.000000e+01 : f32
    %broadcast_in_dim3A_233 = vector.broadcast %jit3A_232 : f32 to vector<2304x128xf32>
    %select_n3A_234 = arith.select %lt3A_230, %broadcast_in_dim3A_233, %select_n3A_223 : vector<2304x128xi1>, vector<2304x128xf32>
    %slice3A_235 = vector.extract_strided_slice %dot_general3A_11 {offsets = [0, 2688], sizes = [2304, 128], strides = [1, 1]} : vector<2304x4096xf32> to vector<2304x128xf32>
    %sub3A_236 = vector.broadcast %broadcast_in_dim3A : vector<2304x1xf32> to vector<2304x128xf32>
    %sub3A_237 = arith.subf %sub3A_236, %slice3A_235 : vector<2304x128xf32>
    %slice3A_238 = vector.extract_strided_slice %broadcast_in_dim3A_10 {offsets = [0, 2688], sizes = [1, 128], strides = [1, 1]} : vector<1x8192xf32> to vector<1x128xf32>
    %add3A_239 = vector.broadcast %slice3A_238 : vector<1x128xf32> to vector<2304x128xf32>
    %add3A_240 = arith.addf %sub3A_237, %add3A_239 : vector<2304x128xf32>
    %lt3A_241 = arith.cmpf olt, %add3A_240, %min3A_231 : vector<2304x128xf32>
    %min3A_242 = arith.minimumf %min3A_231, %add3A_240 : vector<2304x128xf32>
    %jit3A_243 = arith.constant 2.100000e+01 : f32
    %broadcast_in_dim3A_244 = vector.broadcast %jit3A_243 : f32 to vector<2304x128xf32>
    %select_n3A_245 = arith.select %lt3A_241, %broadcast_in_dim3A_244, %select_n3A_234 : vector<2304x128xi1>, vector<2304x128xf32>
    %slice3A_246 = vector.extract_strided_slice %dot_general3A_11 {offsets = [0, 2816], sizes = [2304, 128], strides = [1, 1]} : vector<2304x4096xf32> to vector<2304x128xf32>
    %sub3A_247 = vector.broadcast %broadcast_in_dim3A : vector<2304x1xf32> to vector<2304x128xf32>
    %sub3A_248 = arith.subf %sub3A_247, %slice3A_246 : vector<2304x128xf32>
    %slice3A_249 = vector.extract_strided_slice %broadcast_in_dim3A_10 {offsets = [0, 2816], sizes = [1, 128], strides = [1, 1]} : vector<1x8192xf32> to vector<1x128xf32>
    %add3A_250 = vector.broadcast %slice3A_249 : vector<1x128xf32> to vector<2304x128xf32>
    %add3A_251 = arith.addf %sub3A_248, %add3A_250 : vector<2304x128xf32>
    %lt3A_252 = arith.cmpf olt, %add3A_251, %min3A_242 : vector<2304x128xf32>
    %min3A_253 = arith.minimumf %min3A_242, %add3A_251 : vector<2304x128xf32>
    %jit3A_254 = arith.constant 2.200000e+01 : f32
    %broadcast_in_dim3A_255 = vector.broadcast %jit3A_254 : f32 to vector<2304x128xf32>
    %select_n3A_256 = arith.select %lt3A_252, %broadcast_in_dim3A_255, %select_n3A_245 : vector<2304x128xi1>, vector<2304x128xf32>
    %slice3A_257 = vector.extract_strided_slice %dot_general3A_11 {offsets = [0, 2944], sizes = [2304, 128], strides = [1, 1]} : vector<2304x4096xf32> to vector<2304x128xf32>
    %sub3A_258 = vector.broadcast %broadcast_in_dim3A : vector<2304x1xf32> to vector<2304x128xf32>
    %sub3A_259 = arith.subf %sub3A_258, %slice3A_257 : vector<2304x128xf32>
    %slice3A_260 = vector.extract_strided_slice %broadcast_in_dim3A_10 {offsets = [0, 2944], sizes = [1, 128], strides = [1, 1]} : vector<1x8192xf32> to vector<1x128xf32>
    %add3A_261 = vector.broadcast %slice3A_260 : vector<1x128xf32> to vector<2304x128xf32>
    %add3A_262 = arith.addf %sub3A_259, %add3A_261 : vector<2304x128xf32>
    %lt3A_263 = arith.cmpf olt, %add3A_262, %min3A_253 : vector<2304x128xf32>
    %min3A_264 = arith.minimumf %min3A_253, %add3A_262 : vector<2304x128xf32>
    %jit3A_265 = arith.constant 2.300000e+01 : f32
    %broadcast_in_dim3A_266 = vector.broadcast %jit3A_265 : f32 to vector<2304x128xf32>
    %select_n3A_267 = arith.select %lt3A_263, %broadcast_in_dim3A_266, %select_n3A_256 : vector<2304x128xi1>, vector<2304x128xf32>
    %slice3A_268 = vector.extract_strided_slice %dot_general3A_11 {offsets = [0, 3072], sizes = [2304, 128], strides = [1, 1]} : vector<2304x4096xf32> to vector<2304x128xf32>
    %sub3A_269 = vector.broadcast %broadcast_in_dim3A : vector<2304x1xf32> to vector<2304x128xf32>
    %sub3A_270 = arith.subf %sub3A_269, %slice3A_268 : vector<2304x128xf32>
    %slice3A_271 = vector.extract_strided_slice %broadcast_in_dim3A_10 {offsets = [0, 3072], sizes = [1, 128], strides = [1, 1]} : vector<1x8192xf32> to vector<1x128xf32>
    %add3A_272 = vector.broadcast %slice3A_271 : vector<1x128xf32> to vector<2304x128xf32>
    %add3A_273 = arith.addf %sub3A_270, %add3A_272 : vector<2304x128xf32>
    %lt3A_274 = arith.cmpf olt, %add3A_273, %min3A_264 : vector<2304x128xf32>
    %min3A_275 = arith.minimumf %min3A_264, %add3A_273 : vector<2304x128xf32>
    %jit3A_276 = arith.constant 2.400000e+01 : f32
    %broadcast_in_dim3A_277 = vector.broadcast %jit3A_276 : f32 to vector<2304x128xf32>
    %select_n3A_278 = arith.select %lt3A_274, %broadcast_in_dim3A_277, %select_n3A_267 : vector<2304x128xi1>, vector<2304x128xf32>
    %slice3A_279 = vector.extract_strided_slice %dot_general3A_11 {offsets = [0, 3200], sizes = [2304, 128], strides = [1, 1]} : vector<2304x4096xf32> to vector<2304x128xf32>
    %sub3A_280 = vector.broadcast %broadcast_in_dim3A : vector<2304x1xf32> to vector<2304x128xf32>
    %sub3A_281 = arith.subf %sub3A_280, %slice3A_279 : vector<2304x128xf32>
    %slice3A_282 = vector.extract_strided_slice %broadcast_in_dim3A_10 {offsets = [0, 3200], sizes = [1, 128], strides = [1, 1]} : vector<1x8192xf32> to vector<1x128xf32>
    %add3A_283 = vector.broadcast %slice3A_282 : vector<1x128xf32> to vector<2304x128xf32>
    %add3A_284 = arith.addf %sub3A_281, %add3A_283 : vector<2304x128xf32>
    %lt3A_285 = arith.cmpf olt, %add3A_284, %min3A_275 : vector<2304x128xf32>
    %min3A_286 = arith.minimumf %min3A_275, %add3A_284 : vector<2304x128xf32>
    %jit3A_287 = arith.constant 2.500000e+01 : f32
    %broadcast_in_dim3A_288 = vector.broadcast %jit3A_287 : f32 to vector<2304x128xf32>
    %select_n3A_289 = arith.select %lt3A_285, %broadcast_in_dim3A_288, %select_n3A_278 : vector<2304x128xi1>, vector<2304x128xf32>
    %slice3A_290 = vector.extract_strided_slice %dot_general3A_11 {offsets = [0, 3328], sizes = [2304, 128], strides = [1, 1]} : vector<2304x4096xf32> to vector<2304x128xf32>
    %sub3A_291 = vector.broadcast %broadcast_in_dim3A : vector<2304x1xf32> to vector<2304x128xf32>
    %sub3A_292 = arith.subf %sub3A_291, %slice3A_290 : vector<2304x128xf32>
    %slice3A_293 = vector.extract_strided_slice %broadcast_in_dim3A_10 {offsets = [0, 3328], sizes = [1, 128], strides = [1, 1]} : vector<1x8192xf32> to vector<1x128xf32>
    %add3A_294 = vector.broadcast %slice3A_293 : vector<1x128xf32> to vector<2304x128xf32>
    %add3A_295 = arith.addf %sub3A_292, %add3A_294 : vector<2304x128xf32>
    %lt3A_296 = arith.cmpf olt, %add3A_295, %min3A_286 : vector<2304x128xf32>
    %min3A_297 = arith.minimumf %min3A_286, %add3A_295 : vector<2304x128xf32>
    %jit3A_298 = arith.constant 2.600000e+01 : f32
    %broadcast_in_dim3A_299 = vector.broadcast %jit3A_298 : f32 to vector<2304x128xf32>
    %select_n3A_300 = arith.select %lt3A_296, %broadcast_in_dim3A_299, %select_n3A_289 : vector<2304x128xi1>, vector<2304x128xf32>
    %slice3A_301 = vector.extract_strided_slice %dot_general3A_11 {offsets = [0, 3456], sizes = [2304, 128], strides = [1, 1]} : vector<2304x4096xf32> to vector<2304x128xf32>
    %sub3A_302 = vector.broadcast %broadcast_in_dim3A : vector<2304x1xf32> to vector<2304x128xf32>
    %sub3A_303 = arith.subf %sub3A_302, %slice3A_301 : vector<2304x128xf32>
    %slice3A_304 = vector.extract_strided_slice %broadcast_in_dim3A_10 {offsets = [0, 3456], sizes = [1, 128], strides = [1, 1]} : vector<1x8192xf32> to vector<1x128xf32>
    %add3A_305 = vector.broadcast %slice3A_304 : vector<1x128xf32> to vector<2304x128xf32>
    %add3A_306 = arith.addf %sub3A_303, %add3A_305 : vector<2304x128xf32>
    %lt3A_307 = arith.cmpf olt, %add3A_306, %min3A_297 : vector<2304x128xf32>
    %min3A_308 = arith.minimumf %min3A_297, %add3A_306 : vector<2304x128xf32>
    %jit3A_309 = arith.constant 2.700000e+01 : f32
    %broadcast_in_dim3A_310 = vector.broadcast %jit3A_309 : f32 to vector<2304x128xf32>
    %select_n3A_311 = arith.select %lt3A_307, %broadcast_in_dim3A_310, %select_n3A_300 : vector<2304x128xi1>, vector<2304x128xf32>
    %slice3A_312 = vector.extract_strided_slice %dot_general3A_11 {offsets = [0, 3584], sizes = [2304, 128], strides = [1, 1]} : vector<2304x4096xf32> to vector<2304x128xf32>
    %sub3A_313 = vector.broadcast %broadcast_in_dim3A : vector<2304x1xf32> to vector<2304x128xf32>
    %sub3A_314 = arith.subf %sub3A_313, %slice3A_312 : vector<2304x128xf32>
    %slice3A_315 = vector.extract_strided_slice %broadcast_in_dim3A_10 {offsets = [0, 3584], sizes = [1, 128], strides = [1, 1]} : vector<1x8192xf32> to vector<1x128xf32>
    %add3A_316 = vector.broadcast %slice3A_315 : vector<1x128xf32> to vector<2304x128xf32>
    %add3A_317 = arith.addf %sub3A_314, %add3A_316 : vector<2304x128xf32>
    %lt3A_318 = arith.cmpf olt, %add3A_317, %min3A_308 : vector<2304x128xf32>
    %min3A_319 = arith.minimumf %min3A_308, %add3A_317 : vector<2304x128xf32>
    %jit3A_320 = arith.constant 2.800000e+01 : f32
    %broadcast_in_dim3A_321 = vector.broadcast %jit3A_320 : f32 to vector<2304x128xf32>
    %select_n3A_322 = arith.select %lt3A_318, %broadcast_in_dim3A_321, %select_n3A_311 : vector<2304x128xi1>, vector<2304x128xf32>
    %slice3A_323 = vector.extract_strided_slice %dot_general3A_11 {offsets = [0, 3712], sizes = [2304, 128], strides = [1, 1]} : vector<2304x4096xf32> to vector<2304x128xf32>
    %sub3A_324 = vector.broadcast %broadcast_in_dim3A : vector<2304x1xf32> to vector<2304x128xf32>
    %sub3A_325 = arith.subf %sub3A_324, %slice3A_323 : vector<2304x128xf32>
    %slice3A_326 = vector.extract_strided_slice %broadcast_in_dim3A_10 {offsets = [0, 3712], sizes = [1, 128], strides = [1, 1]} : vector<1x8192xf32> to vector<1x128xf32>
    %add3A_327 = vector.broadcast %slice3A_326 : vector<1x128xf32> to vector<2304x128xf32>
    %add3A_328 = arith.addf %sub3A_325, %add3A_327 : vector<2304x128xf32>
    %lt3A_329 = arith.cmpf olt, %add3A_328, %min3A_319 : vector<2304x128xf32>
    %min3A_330 = arith.minimumf %min3A_319, %add3A_328 : vector<2304x128xf32>
    %jit3A_331 = arith.constant 2.900000e+01 : f32
    %broadcast_in_dim3A_332 = vector.broadcast %jit3A_331 : f32 to vector<2304x128xf32>
    %select_n3A_333 = arith.select %lt3A_329, %broadcast_in_dim3A_332, %select_n3A_322 : vector<2304x128xi1>, vector<2304x128xf32>
    %slice3A_334 = vector.extract_strided_slice %dot_general3A_11 {offsets = [0, 3840], sizes = [2304, 128], strides = [1, 1]} : vector<2304x4096xf32> to vector<2304x128xf32>
    %sub3A_335 = vector.broadcast %broadcast_in_dim3A : vector<2304x1xf32> to vector<2304x128xf32>
    %sub3A_336 = arith.subf %sub3A_335, %slice3A_334 : vector<2304x128xf32>
    %slice3A_337 = vector.extract_strided_slice %broadcast_in_dim3A_10 {offsets = [0, 3840], sizes = [1, 128], strides = [1, 1]} : vector<1x8192xf32> to vector<1x128xf32>
    %add3A_338 = vector.broadcast %slice3A_337 : vector<1x128xf32> to vector<2304x128xf32>
    %add3A_339 = arith.addf %sub3A_336, %add3A_338 : vector<2304x128xf32>
    %lt3A_340 = arith.cmpf olt, %add3A_339, %min3A_330 : vector<2304x128xf32>
    %min3A_341 = arith.minimumf %min3A_330, %add3A_339 : vector<2304x128xf32>
    %jit3A_342 = arith.constant 3.000000e+01 : f32
    %broadcast_in_dim3A_343 = vector.broadcast %jit3A_342 : f32 to vector<2304x128xf32>
    %select_n3A_344 = arith.select %lt3A_340, %broadcast_in_dim3A_343, %select_n3A_333 : vector<2304x128xi1>, vector<2304x128xf32>
    %slice3A_345 = vector.extract_strided_slice %dot_general3A_11 {offsets = [0, 3968], sizes = [2304, 128], strides = [1, 1]} : vector<2304x4096xf32> to vector<2304x128xf32>
    %sub3A_346 = vector.broadcast %broadcast_in_dim3A : vector<2304x1xf32> to vector<2304x128xf32>
    %sub3A_347 = arith.subf %sub3A_346, %slice3A_345 : vector<2304x128xf32>
    %slice3A_348 = vector.extract_strided_slice %broadcast_in_dim3A_10 {offsets = [0, 3968], sizes = [1, 128], strides = [1, 1]} : vector<1x8192xf32> to vector<1x128xf32>
    %add3A_349 = vector.broadcast %slice3A_348 : vector<1x128xf32> to vector<2304x128xf32>
    %add3A_350 = arith.addf %sub3A_347, %add3A_349 : vector<2304x128xf32>
    %lt3A_351 = arith.cmpf olt, %add3A_350, %min3A_341 : vector<2304x128xf32>
    %min3A_352 = arith.minimumf %min3A_341, %add3A_350 : vector<2304x128xf32>
    %jit3A_353 = arith.constant 3.100000e+01 : f32
    %broadcast_in_dim3A_354 = vector.broadcast %jit3A_353 : f32 to vector<2304x128xf32>
    %select_n3A_355 = arith.select %lt3A_351, %broadcast_in_dim3A_354, %select_n3A_344 : vector<2304x128xi1>, vector<2304x128xf32>
    %slice3A_356 = vector.extract_strided_slice %get3A_6 {offsets = [0, 4096], sizes = [32, 4096], strides = [1, 1]} : vector<32x8192xf32> to vector<32x4096xf32>
    %dot_general3A_357 = arith.constant dense<0.000000e+00> : vector<2304x4096xf32>
    %dot_general3A_358 = tpu.matmul %add3A, %slice3A_356, %dot_general3A_357 {dimension_numbers = #tpu.dot_dimension_numbers<[1], [0], [0], [1], [0, 0, 1, 1], [], []>, transpose_lhs_hint = false} : vector<2304x32xf32>, vector<32x4096xf32>, vector<2304x4096xf32> -> vector<2304x4096xf32>
    %slice3A_359 = vector.extract_strided_slice %dot_general3A_358 {offsets = [0, 0], sizes = [2304, 128], strides = [1, 1]} : vector<2304x4096xf32> to vector<2304x128xf32>
    %sub3A_360 = vector.broadcast %broadcast_in_dim3A : vector<2304x1xf32> to vector<2304x128xf32>
    %sub3A_361 = arith.subf %sub3A_360, %slice3A_359 : vector<2304x128xf32>
    %slice3A_362 = vector.extract_strided_slice %broadcast_in_dim3A_10 {offsets = [0, 4096], sizes = [1, 128], strides = [1, 1]} : vector<1x8192xf32> to vector<1x128xf32>
    %add3A_363 = vector.broadcast %slice3A_362 : vector<1x128xf32> to vector<2304x128xf32>
    %add3A_364 = arith.addf %sub3A_361, %add3A_363 : vector<2304x128xf32>
    %lt3A_365 = arith.cmpf olt, %add3A_364, %min3A_352 : vector<2304x128xf32>
    %min3A_366 = arith.minimumf %min3A_352, %add3A_364 : vector<2304x128xf32>
    %jit3A_367 = arith.constant 3.200000e+01 : f32
    %broadcast_in_dim3A_368 = vector.broadcast %jit3A_367 : f32 to vector<2304x128xf32>
    %select_n3A_369 = arith.select %lt3A_365, %broadcast_in_dim3A_368, %select_n3A_355 : vector<2304x128xi1>, vector<2304x128xf32>
    %slice3A_370 = vector.extract_strided_slice %dot_general3A_358 {offsets = [0, 128], sizes = [2304, 128], strides = [1, 1]} : vector<2304x4096xf32> to vector<2304x128xf32>
    %sub3A_371 = vector.broadcast %broadcast_in_dim3A : vector<2304x1xf32> to vector<2304x128xf32>
    %sub3A_372 = arith.subf %sub3A_371, %slice3A_370 : vector<2304x128xf32>
    %slice3A_373 = vector.extract_strided_slice %broadcast_in_dim3A_10 {offsets = [0, 4224], sizes = [1, 128], strides = [1, 1]} : vector<1x8192xf32> to vector<1x128xf32>
    %add3A_374 = vector.broadcast %slice3A_373 : vector<1x128xf32> to vector<2304x128xf32>
    %add3A_375 = arith.addf %sub3A_372, %add3A_374 : vector<2304x128xf32>
    %lt3A_376 = arith.cmpf olt, %add3A_375, %min3A_366 : vector<2304x128xf32>
    %min3A_377 = arith.minimumf %min3A_366, %add3A_375 : vector<2304x128xf32>
    %jit3A_378 = arith.constant 3.300000e+01 : f32
    %broadcast_in_dim3A_379 = vector.broadcast %jit3A_378 : f32 to vector<2304x128xf32>
    %select_n3A_380 = arith.select %lt3A_376, %broadcast_in_dim3A_379, %select_n3A_369 : vector<2304x128xi1>, vector<2304x128xf32>
    %slice3A_381 = vector.extract_strided_slice %dot_general3A_358 {offsets = [0, 256], sizes = [2304, 128], strides = [1, 1]} : vector<2304x4096xf32> to vector<2304x128xf32>
    %sub3A_382 = vector.broadcast %broadcast_in_dim3A : vector<2304x1xf32> to vector<2304x128xf32>
    %sub3A_383 = arith.subf %sub3A_382, %slice3A_381 : vector<2304x128xf32>
    %slice3A_384 = vector.extract_strided_slice %broadcast_in_dim3A_10 {offsets = [0, 4352], sizes = [1, 128], strides = [1, 1]} : vector<1x8192xf32> to vector<1x128xf32>
    %add3A_385 = vector.broadcast %slice3A_384 : vector<1x128xf32> to vector<2304x128xf32>
    %add3A_386 = arith.addf %sub3A_383, %add3A_385 : vector<2304x128xf32>
    %lt3A_387 = arith.cmpf olt, %add3A_386, %min3A_377 : vector<2304x128xf32>
    %min3A_388 = arith.minimumf %min3A_377, %add3A_386 : vector<2304x128xf32>
    %jit3A_389 = arith.constant 3.400000e+01 : f32
    %broadcast_in_dim3A_390 = vector.broadcast %jit3A_389 : f32 to vector<2304x128xf32>
    %select_n3A_391 = arith.select %lt3A_387, %broadcast_in_dim3A_390, %select_n3A_380 : vector<2304x128xi1>, vector<2304x128xf32>
    %slice3A_392 = vector.extract_strided_slice %dot_general3A_358 {offsets = [0, 384], sizes = [2304, 128], strides = [1, 1]} : vector<2304x4096xf32> to vector<2304x128xf32>
    %sub3A_393 = vector.broadcast %broadcast_in_dim3A : vector<2304x1xf32> to vector<2304x128xf32>
    %sub3A_394 = arith.subf %sub3A_393, %slice3A_392 : vector<2304x128xf32>
    %slice3A_395 = vector.extract_strided_slice %broadcast_in_dim3A_10 {offsets = [0, 4480], sizes = [1, 128], strides = [1, 1]} : vector<1x8192xf32> to vector<1x128xf32>
    %add3A_396 = vector.broadcast %slice3A_395 : vector<1x128xf32> to vector<2304x128xf32>
    %add3A_397 = arith.addf %sub3A_394, %add3A_396 : vector<2304x128xf32>
    %lt3A_398 = arith.cmpf olt, %add3A_397, %min3A_388 : vector<2304x128xf32>
    %min3A_399 = arith.minimumf %min3A_388, %add3A_397 : vector<2304x128xf32>
    %jit3A_400 = arith.constant 3.500000e+01 : f32
    %broadcast_in_dim3A_401 = vector.broadcast %jit3A_400 : f32 to vector<2304x128xf32>
    %select_n3A_402 = arith.select %lt3A_398, %broadcast_in_dim3A_401, %select_n3A_391 : vector<2304x128xi1>, vector<2304x128xf32>
    %slice3A_403 = vector.extract_strided_slice %dot_general3A_358 {offsets = [0, 512], sizes = [2304, 128], strides = [1, 1]} : vector<2304x4096xf32> to vector<2304x128xf32>
    %sub3A_404 = vector.broadcast %broadcast_in_dim3A : vector<2304x1xf32> to vector<2304x128xf32>
    %sub3A_405 = arith.subf %sub3A_404, %slice3A_403 : vector<2304x128xf32>
    %slice3A_406 = vector.extract_strided_slice %broadcast_in_dim3A_10 {offsets = [0, 4608], sizes = [1, 128], strides = [1, 1]} : vector<1x8192xf32> to vector<1x128xf32>
    %add3A_407 = vector.broadcast %slice3A_406 : vector<1x128xf32> to vector<2304x128xf32>
    %add3A_408 = arith.addf %sub3A_405, %add3A_407 : vector<2304x128xf32>
    %lt3A_409 = arith.cmpf olt, %add3A_408, %min3A_399 : vector<2304x128xf32>
    %min3A_410 = arith.minimumf %min3A_399, %add3A_408 : vector<2304x128xf32>
    %jit3A_411 = arith.constant 3.600000e+01 : f32
    %broadcast_in_dim3A_412 = vector.broadcast %jit3A_411 : f32 to vector<2304x128xf32>
    %select_n3A_413 = arith.select %lt3A_409, %broadcast_in_dim3A_412, %select_n3A_402 : vector<2304x128xi1>, vector<2304x128xf32>
    %slice3A_414 = vector.extract_strided_slice %dot_general3A_358 {offsets = [0, 640], sizes = [2304, 128], strides = [1, 1]} : vector<2304x4096xf32> to vector<2304x128xf32>
    %sub3A_415 = vector.broadcast %broadcast_in_dim3A : vector<2304x1xf32> to vector<2304x128xf32>
    %sub3A_416 = arith.subf %sub3A_415, %slice3A_414 : vector<2304x128xf32>
    %slice3A_417 = vector.extract_strided_slice %broadcast_in_dim3A_10 {offsets = [0, 4736], sizes = [1, 128], strides = [1, 1]} : vector<1x8192xf32> to vector<1x128xf32>
    %add3A_418 = vector.broadcast %slice3A_417 : vector<1x128xf32> to vector<2304x128xf32>
    %add3A_419 = arith.addf %sub3A_416, %add3A_418 : vector<2304x128xf32>
    %lt3A_420 = arith.cmpf olt, %add3A_419, %min3A_410 : vector<2304x128xf32>
    %min3A_421 = arith.minimumf %min3A_410, %add3A_419 : vector<2304x128xf32>
    %jit3A_422 = arith.constant 3.700000e+01 : f32
    %broadcast_in_dim3A_423 = vector.broadcast %jit3A_422 : f32 to vector<2304x128xf32>
    %select_n3A_424 = arith.select %lt3A_420, %broadcast_in_dim3A_423, %select_n3A_413 : vector<2304x128xi1>, vector<2304x128xf32>
    %slice3A_425 = vector.extract_strided_slice %dot_general3A_358 {offsets = [0, 768], sizes = [2304, 128], strides = [1, 1]} : vector<2304x4096xf32> to vector<2304x128xf32>
    %sub3A_426 = vector.broadcast %broadcast_in_dim3A : vector<2304x1xf32> to vector<2304x128xf32>
    %sub3A_427 = arith.subf %sub3A_426, %slice3A_425 : vector<2304x128xf32>
    %slice3A_428 = vector.extract_strided_slice %broadcast_in_dim3A_10 {offsets = [0, 4864], sizes = [1, 128], strides = [1, 1]} : vector<1x8192xf32> to vector<1x128xf32>
    %add3A_429 = vector.broadcast %slice3A_428 : vector<1x128xf32> to vector<2304x128xf32>
    %add3A_430 = arith.addf %sub3A_427, %add3A_429 : vector<2304x128xf32>
    %lt3A_431 = arith.cmpf olt, %add3A_430, %min3A_421 : vector<2304x128xf32>
    %min3A_432 = arith.minimumf %min3A_421, %add3A_430 : vector<2304x128xf32>
    %jit3A_433 = arith.constant 3.800000e+01 : f32
    %broadcast_in_dim3A_434 = vector.broadcast %jit3A_433 : f32 to vector<2304x128xf32>
    %select_n3A_435 = arith.select %lt3A_431, %broadcast_in_dim3A_434, %select_n3A_424 : vector<2304x128xi1>, vector<2304x128xf32>
    %slice3A_436 = vector.extract_strided_slice %dot_general3A_358 {offsets = [0, 896], sizes = [2304, 128], strides = [1, 1]} : vector<2304x4096xf32> to vector<2304x128xf32>
    %sub3A_437 = vector.broadcast %broadcast_in_dim3A : vector<2304x1xf32> to vector<2304x128xf32>
    %sub3A_438 = arith.subf %sub3A_437, %slice3A_436 : vector<2304x128xf32>
    %slice3A_439 = vector.extract_strided_slice %broadcast_in_dim3A_10 {offsets = [0, 4992], sizes = [1, 128], strides = [1, 1]} : vector<1x8192xf32> to vector<1x128xf32>
    %add3A_440 = vector.broadcast %slice3A_439 : vector<1x128xf32> to vector<2304x128xf32>
    %add3A_441 = arith.addf %sub3A_438, %add3A_440 : vector<2304x128xf32>
    %lt3A_442 = arith.cmpf olt, %add3A_441, %min3A_432 : vector<2304x128xf32>
    %min3A_443 = arith.minimumf %min3A_432, %add3A_441 : vector<2304x128xf32>
    %jit3A_444 = arith.constant 3.900000e+01 : f32
    %broadcast_in_dim3A_445 = vector.broadcast %jit3A_444 : f32 to vector<2304x128xf32>
    %select_n3A_446 = arith.select %lt3A_442, %broadcast_in_dim3A_445, %select_n3A_435 : vector<2304x128xi1>, vector<2304x128xf32>
    %slice3A_447 = vector.extract_strided_slice %dot_general3A_358 {offsets = [0, 1024], sizes = [2304, 128], strides = [1, 1]} : vector<2304x4096xf32> to vector<2304x128xf32>
    %sub3A_448 = vector.broadcast %broadcast_in_dim3A : vector<2304x1xf32> to vector<2304x128xf32>
    %sub3A_449 = arith.subf %sub3A_448, %slice3A_447 : vector<2304x128xf32>
    %slice3A_450 = vector.extract_strided_slice %broadcast_in_dim3A_10 {offsets = [0, 5120], sizes = [1, 128], strides = [1, 1]} : vector<1x8192xf32> to vector<1x128xf32>
    %add3A_451 = vector.broadcast %slice3A_450 : vector<1x128xf32> to vector<2304x128xf32>
    %add3A_452 = arith.addf %sub3A_449, %add3A_451 : vector<2304x128xf32>
    %lt3A_453 = arith.cmpf olt, %add3A_452, %min3A_443 : vector<2304x128xf32>
    %min3A_454 = arith.minimumf %min3A_443, %add3A_452 : vector<2304x128xf32>
    %jit3A_455 = arith.constant 4.000000e+01 : f32
    %broadcast_in_dim3A_456 = vector.broadcast %jit3A_455 : f32 to vector<2304x128xf32>
    %select_n3A_457 = arith.select %lt3A_453, %broadcast_in_dim3A_456, %select_n3A_446 : vector<2304x128xi1>, vector<2304x128xf32>
    %slice3A_458 = vector.extract_strided_slice %dot_general3A_358 {offsets = [0, 1152], sizes = [2304, 128], strides = [1, 1]} : vector<2304x4096xf32> to vector<2304x128xf32>
    %sub3A_459 = vector.broadcast %broadcast_in_dim3A : vector<2304x1xf32> to vector<2304x128xf32>
    %sub3A_460 = arith.subf %sub3A_459, %slice3A_458 : vector<2304x128xf32>
    %slice3A_461 = vector.extract_strided_slice %broadcast_in_dim3A_10 {offsets = [0, 5248], sizes = [1, 128], strides = [1, 1]} : vector<1x8192xf32> to vector<1x128xf32>
    %add3A_462 = vector.broadcast %slice3A_461 : vector<1x128xf32> to vector<2304x128xf32>
    %add3A_463 = arith.addf %sub3A_460, %add3A_462 : vector<2304x128xf32>
    %lt3A_464 = arith.cmpf olt, %add3A_463, %min3A_454 : vector<2304x128xf32>
    %min3A_465 = arith.minimumf %min3A_454, %add3A_463 : vector<2304x128xf32>
    %jit3A_466 = arith.constant 4.100000e+01 : f32
    %broadcast_in_dim3A_467 = vector.broadcast %jit3A_466 : f32 to vector<2304x128xf32>
    %select_n3A_468 = arith.select %lt3A_464, %broadcast_in_dim3A_467, %select_n3A_457 : vector<2304x128xi1>, vector<2304x128xf32>
    %slice3A_469 = vector.extract_strided_slice %dot_general3A_358 {offsets = [0, 1280], sizes = [2304, 128], strides = [1, 1]} : vector<2304x4096xf32> to vector<2304x128xf32>
    %sub3A_470 = vector.broadcast %broadcast_in_dim3A : vector<2304x1xf32> to vector<2304x128xf32>
    %sub3A_471 = arith.subf %sub3A_470, %slice3A_469 : vector<2304x128xf32>
    %slice3A_472 = vector.extract_strided_slice %broadcast_in_dim3A_10 {offsets = [0, 5376], sizes = [1, 128], strides = [1, 1]} : vector<1x8192xf32> to vector<1x128xf32>
    %add3A_473 = vector.broadcast %slice3A_472 : vector<1x128xf32> to vector<2304x128xf32>
    %add3A_474 = arith.addf %sub3A_471, %add3A_473 : vector<2304x128xf32>
    %lt3A_475 = arith.cmpf olt, %add3A_474, %min3A_465 : vector<2304x128xf32>
    %min3A_476 = arith.minimumf %min3A_465, %add3A_474 : vector<2304x128xf32>
    %jit3A_477 = arith.constant 4.200000e+01 : f32
    %broadcast_in_dim3A_478 = vector.broadcast %jit3A_477 : f32 to vector<2304x128xf32>
    %select_n3A_479 = arith.select %lt3A_475, %broadcast_in_dim3A_478, %select_n3A_468 : vector<2304x128xi1>, vector<2304x128xf32>
    %slice3A_480 = vector.extract_strided_slice %dot_general3A_358 {offsets = [0, 1408], sizes = [2304, 128], strides = [1, 1]} : vector<2304x4096xf32> to vector<2304x128xf32>
    %sub3A_481 = vector.broadcast %broadcast_in_dim3A : vector<2304x1xf32> to vector<2304x128xf32>
    %sub3A_482 = arith.subf %sub3A_481, %slice3A_480 : vector<2304x128xf32>
    %slice3A_483 = vector.extract_strided_slice %broadcast_in_dim3A_10 {offsets = [0, 5504], sizes = [1, 128], strides = [1, 1]} : vector<1x8192xf32> to vector<1x128xf32>
    %add3A_484 = vector.broadcast %slice3A_483 : vector<1x128xf32> to vector<2304x128xf32>
    %add3A_485 = arith.addf %sub3A_482, %add3A_484 : vector<2304x128xf32>
    %lt3A_486 = arith.cmpf olt, %add3A_485, %min3A_476 : vector<2304x128xf32>
    %min3A_487 = arith.minimumf %min3A_476, %add3A_485 : vector<2304x128xf32>
    %jit3A_488 = arith.constant 4.300000e+01 : f32
    %broadcast_in_dim3A_489 = vector.broadcast %jit3A_488 : f32 to vector<2304x128xf32>
    %select_n3A_490 = arith.select %lt3A_486, %broadcast_in_dim3A_489, %select_n3A_479 : vector<2304x128xi1>, vector<2304x128xf32>
    %slice3A_491 = vector.extract_strided_slice %dot_general3A_358 {offsets = [0, 1536], sizes = [2304, 128], strides = [1, 1]} : vector<2304x4096xf32> to vector<2304x128xf32>
    %sub3A_492 = vector.broadcast %broadcast_in_dim3A : vector<2304x1xf32> to vector<2304x128xf32>
    %sub3A_493 = arith.subf %sub3A_492, %slice3A_491 : vector<2304x128xf32>
    %slice3A_494 = vector.extract_strided_slice %broadcast_in_dim3A_10 {offsets = [0, 5632], sizes = [1, 128], strides = [1, 1]} : vector<1x8192xf32> to vector<1x128xf32>
    %add3A_495 = vector.broadcast %slice3A_494 : vector<1x128xf32> to vector<2304x128xf32>
    %add3A_496 = arith.addf %sub3A_493, %add3A_495 : vector<2304x128xf32>
    %lt3A_497 = arith.cmpf olt, %add3A_496, %min3A_487 : vector<2304x128xf32>
    %min3A_498 = arith.minimumf %min3A_487, %add3A_496 : vector<2304x128xf32>
    %jit3A_499 = arith.constant 4.400000e+01 : f32
    %broadcast_in_dim3A_500 = vector.broadcast %jit3A_499 : f32 to vector<2304x128xf32>
    %select_n3A_501 = arith.select %lt3A_497, %broadcast_in_dim3A_500, %select_n3A_490 : vector<2304x128xi1>, vector<2304x128xf32>
    %slice3A_502 = vector.extract_strided_slice %dot_general3A_358 {offsets = [0, 1664], sizes = [2304, 128], strides = [1, 1]} : vector<2304x4096xf32> to vector<2304x128xf32>
    %sub3A_503 = vector.broadcast %broadcast_in_dim3A : vector<2304x1xf32> to vector<2304x128xf32>
    %sub3A_504 = arith.subf %sub3A_503, %slice3A_502 : vector<2304x128xf32>
    %slice3A_505 = vector.extract_strided_slice %broadcast_in_dim3A_10 {offsets = [0, 5760], sizes = [1, 128], strides = [1, 1]} : vector<1x8192xf32> to vector<1x128xf32>
    %add3A_506 = vector.broadcast %slice3A_505 : vector<1x128xf32> to vector<2304x128xf32>
    %add3A_507 = arith.addf %sub3A_504, %add3A_506 : vector<2304x128xf32>
    %lt3A_508 = arith.cmpf olt, %add3A_507, %min3A_498 : vector<2304x128xf32>
    %min3A_509 = arith.minimumf %min3A_498, %add3A_507 : vector<2304x128xf32>
    %jit3A_510 = arith.constant 4.500000e+01 : f32
    %broadcast_in_dim3A_511 = vector.broadcast %jit3A_510 : f32 to vector<2304x128xf32>
    %select_n3A_512 = arith.select %lt3A_508, %broadcast_in_dim3A_511, %select_n3A_501 : vector<2304x128xi1>, vector<2304x128xf32>
    %slice3A_513 = vector.extract_strided_slice %dot_general3A_358 {offsets = [0, 1792], sizes = [2304, 128], strides = [1, 1]} : vector<2304x4096xf32> to vector<2304x128xf32>
    %sub3A_514 = vector.broadcast %broadcast_in_dim3A : vector<2304x1xf32> to vector<2304x128xf32>
    %sub3A_515 = arith.subf %sub3A_514, %slice3A_513 : vector<2304x128xf32>
    %slice3A_516 = vector.extract_strided_slice %broadcast_in_dim3A_10 {offsets = [0, 5888], sizes = [1, 128], strides = [1, 1]} : vector<1x8192xf32> to vector<1x128xf32>
    %add3A_517 = vector.broadcast %slice3A_516 : vector<1x128xf32> to vector<2304x128xf32>
    %add3A_518 = arith.addf %sub3A_515, %add3A_517 : vector<2304x128xf32>
    %lt3A_519 = arith.cmpf olt, %add3A_518, %min3A_509 : vector<2304x128xf32>
    %min3A_520 = arith.minimumf %min3A_509, %add3A_518 : vector<2304x128xf32>
    %jit3A_521 = arith.constant 4.600000e+01 : f32
    %broadcast_in_dim3A_522 = vector.broadcast %jit3A_521 : f32 to vector<2304x128xf32>
    %select_n3A_523 = arith.select %lt3A_519, %broadcast_in_dim3A_522, %select_n3A_512 : vector<2304x128xi1>, vector<2304x128xf32>
    %slice3A_524 = vector.extract_strided_slice %dot_general3A_358 {offsets = [0, 1920], sizes = [2304, 128], strides = [1, 1]} : vector<2304x4096xf32> to vector<2304x128xf32>
    %sub3A_525 = vector.broadcast %broadcast_in_dim3A : vector<2304x1xf32> to vector<2304x128xf32>
    %sub3A_526 = arith.subf %sub3A_525, %slice3A_524 : vector<2304x128xf32>
    %slice3A_527 = vector.extract_strided_slice %broadcast_in_dim3A_10 {offsets = [0, 6016], sizes = [1, 128], strides = [1, 1]} : vector<1x8192xf32> to vector<1x128xf32>
    %add3A_528 = vector.broadcast %slice3A_527 : vector<1x128xf32> to vector<2304x128xf32>
    %add3A_529 = arith.addf %sub3A_526, %add3A_528 : vector<2304x128xf32>
    %lt3A_530 = arith.cmpf olt, %add3A_529, %min3A_520 : vector<2304x128xf32>
    %min3A_531 = arith.minimumf %min3A_520, %add3A_529 : vector<2304x128xf32>
    %jit3A_532 = arith.constant 4.700000e+01 : f32
    %broadcast_in_dim3A_533 = vector.broadcast %jit3A_532 : f32 to vector<2304x128xf32>
    %select_n3A_534 = arith.select %lt3A_530, %broadcast_in_dim3A_533, %select_n3A_523 : vector<2304x128xi1>, vector<2304x128xf32>
    %slice3A_535 = vector.extract_strided_slice %dot_general3A_358 {offsets = [0, 2048], sizes = [2304, 128], strides = [1, 1]} : vector<2304x4096xf32> to vector<2304x128xf32>
    %sub3A_536 = vector.broadcast %broadcast_in_dim3A : vector<2304x1xf32> to vector<2304x128xf32>
    %sub3A_537 = arith.subf %sub3A_536, %slice3A_535 : vector<2304x128xf32>
    %slice3A_538 = vector.extract_strided_slice %broadcast_in_dim3A_10 {offsets = [0, 6144], sizes = [1, 128], strides = [1, 1]} : vector<1x8192xf32> to vector<1x128xf32>
    %add3A_539 = vector.broadcast %slice3A_538 : vector<1x128xf32> to vector<2304x128xf32>
    %add3A_540 = arith.addf %sub3A_537, %add3A_539 : vector<2304x128xf32>
    %lt3A_541 = arith.cmpf olt, %add3A_540, %min3A_531 : vector<2304x128xf32>
    %min3A_542 = arith.minimumf %min3A_531, %add3A_540 : vector<2304x128xf32>
    %jit3A_543 = arith.constant 4.800000e+01 : f32
    %broadcast_in_dim3A_544 = vector.broadcast %jit3A_543 : f32 to vector<2304x128xf32>
    %select_n3A_545 = arith.select %lt3A_541, %broadcast_in_dim3A_544, %select_n3A_534 : vector<2304x128xi1>, vector<2304x128xf32>
    %slice3A_546 = vector.extract_strided_slice %dot_general3A_358 {offsets = [0, 2176], sizes = [2304, 128], strides = [1, 1]} : vector<2304x4096xf32> to vector<2304x128xf32>
    %sub3A_547 = vector.broadcast %broadcast_in_dim3A : vector<2304x1xf32> to vector<2304x128xf32>
    %sub3A_548 = arith.subf %sub3A_547, %slice3A_546 : vector<2304x128xf32>
    %slice3A_549 = vector.extract_strided_slice %broadcast_in_dim3A_10 {offsets = [0, 6272], sizes = [1, 128], strides = [1, 1]} : vector<1x8192xf32> to vector<1x128xf32>
    %add3A_550 = vector.broadcast %slice3A_549 : vector<1x128xf32> to vector<2304x128xf32>
    %add3A_551 = arith.addf %sub3A_548, %add3A_550 : vector<2304x128xf32>
    %lt3A_552 = arith.cmpf olt, %add3A_551, %min3A_542 : vector<2304x128xf32>
    %min3A_553 = arith.minimumf %min3A_542, %add3A_551 : vector<2304x128xf32>
    %jit3A_554 = arith.constant 4.900000e+01 : f32
    %broadcast_in_dim3A_555 = vector.broadcast %jit3A_554 : f32 to vector<2304x128xf32>
    %select_n3A_556 = arith.select %lt3A_552, %broadcast_in_dim3A_555, %select_n3A_545 : vector<2304x128xi1>, vector<2304x128xf32>
    %slice3A_557 = vector.extract_strided_slice %dot_general3A_358 {offsets = [0, 2304], sizes = [2304, 128], strides = [1, 1]} : vector<2304x4096xf32> to vector<2304x128xf32>
    %sub3A_558 = vector.broadcast %broadcast_in_dim3A : vector<2304x1xf32> to vector<2304x128xf32>
    %sub3A_559 = arith.subf %sub3A_558, %slice3A_557 : vector<2304x128xf32>
    %slice3A_560 = vector.extract_strided_slice %broadcast_in_dim3A_10 {offsets = [0, 6400], sizes = [1, 128], strides = [1, 1]} : vector<1x8192xf32> to vector<1x128xf32>
    %add3A_561 = vector.broadcast %slice3A_560 : vector<1x128xf32> to vector<2304x128xf32>
    %add3A_562 = arith.addf %sub3A_559, %add3A_561 : vector<2304x128xf32>
    %lt3A_563 = arith.cmpf olt, %add3A_562, %min3A_553 : vector<2304x128xf32>
    %min3A_564 = arith.minimumf %min3A_553, %add3A_562 : vector<2304x128xf32>
    %jit3A_565 = arith.constant 5.000000e+01 : f32
    %broadcast_in_dim3A_566 = vector.broadcast %jit3A_565 : f32 to vector<2304x128xf32>
    %select_n3A_567 = arith.select %lt3A_563, %broadcast_in_dim3A_566, %select_n3A_556 : vector<2304x128xi1>, vector<2304x128xf32>
    %slice3A_568 = vector.extract_strided_slice %dot_general3A_358 {offsets = [0, 2432], sizes = [2304, 128], strides = [1, 1]} : vector<2304x4096xf32> to vector<2304x128xf32>
    %sub3A_569 = vector.broadcast %broadcast_in_dim3A : vector<2304x1xf32> to vector<2304x128xf32>
    %sub3A_570 = arith.subf %sub3A_569, %slice3A_568 : vector<2304x128xf32>
    %slice3A_571 = vector.extract_strided_slice %broadcast_in_dim3A_10 {offsets = [0, 6528], sizes = [1, 128], strides = [1, 1]} : vector<1x8192xf32> to vector<1x128xf32>
    %add3A_572 = vector.broadcast %slice3A_571 : vector<1x128xf32> to vector<2304x128xf32>
    %add3A_573 = arith.addf %sub3A_570, %add3A_572 : vector<2304x128xf32>
    %lt3A_574 = arith.cmpf olt, %add3A_573, %min3A_564 : vector<2304x128xf32>
    %min3A_575 = arith.minimumf %min3A_564, %add3A_573 : vector<2304x128xf32>
    %jit3A_576 = arith.constant 5.100000e+01 : f32
    %broadcast_in_dim3A_577 = vector.broadcast %jit3A_576 : f32 to vector<2304x128xf32>
    %select_n3A_578 = arith.select %lt3A_574, %broadcast_in_dim3A_577, %select_n3A_567 : vector<2304x128xi1>, vector<2304x128xf32>
    %slice3A_579 = vector.extract_strided_slice %dot_general3A_358 {offsets = [0, 2560], sizes = [2304, 128], strides = [1, 1]} : vector<2304x4096xf32> to vector<2304x128xf32>
    %sub3A_580 = vector.broadcast %broadcast_in_dim3A : vector<2304x1xf32> to vector<2304x128xf32>
    %sub3A_581 = arith.subf %sub3A_580, %slice3A_579 : vector<2304x128xf32>
    %slice3A_582 = vector.extract_strided_slice %broadcast_in_dim3A_10 {offsets = [0, 6656], sizes = [1, 128], strides = [1, 1]} : vector<1x8192xf32> to vector<1x128xf32>
    %add3A_583 = vector.broadcast %slice3A_582 : vector<1x128xf32> to vector<2304x128xf32>
    %add3A_584 = arith.addf %sub3A_581, %add3A_583 : vector<2304x128xf32>
    %lt3A_585 = arith.cmpf olt, %add3A_584, %min3A_575 : vector<2304x128xf32>
    %min3A_586 = arith.minimumf %min3A_575, %add3A_584 : vector<2304x128xf32>
    %jit3A_587 = arith.constant 5.200000e+01 : f32
    %broadcast_in_dim3A_588 = vector.broadcast %jit3A_587 : f32 to vector<2304x128xf32>
    %select_n3A_589 = arith.select %lt3A_585, %broadcast_in_dim3A_588, %select_n3A_578 : vector<2304x128xi1>, vector<2304x128xf32>
    %slice3A_590 = vector.extract_strided_slice %dot_general3A_358 {offsets = [0, 2688], sizes = [2304, 128], strides = [1, 1]} : vector<2304x4096xf32> to vector<2304x128xf32>
    %sub3A_591 = vector.broadcast %broadcast_in_dim3A : vector<2304x1xf32> to vector<2304x128xf32>
    %sub3A_592 = arith.subf %sub3A_591, %slice3A_590 : vector<2304x128xf32>
    %slice3A_593 = vector.extract_strided_slice %broadcast_in_dim3A_10 {offsets = [0, 6784], sizes = [1, 128], strides = [1, 1]} : vector<1x8192xf32> to vector<1x128xf32>
    %add3A_594 = vector.broadcast %slice3A_593 : vector<1x128xf32> to vector<2304x128xf32>
    %add3A_595 = arith.addf %sub3A_592, %add3A_594 : vector<2304x128xf32>
    %lt3A_596 = arith.cmpf olt, %add3A_595, %min3A_586 : vector<2304x128xf32>
    %min3A_597 = arith.minimumf %min3A_586, %add3A_595 : vector<2304x128xf32>
    %jit3A_598 = arith.constant 5.300000e+01 : f32
    %broadcast_in_dim3A_599 = vector.broadcast %jit3A_598 : f32 to vector<2304x128xf32>
    %select_n3A_600 = arith.select %lt3A_596, %broadcast_in_dim3A_599, %select_n3A_589 : vector<2304x128xi1>, vector<2304x128xf32>
    %slice3A_601 = vector.extract_strided_slice %dot_general3A_358 {offsets = [0, 2816], sizes = [2304, 128], strides = [1, 1]} : vector<2304x4096xf32> to vector<2304x128xf32>
    %sub3A_602 = vector.broadcast %broadcast_in_dim3A : vector<2304x1xf32> to vector<2304x128xf32>
    %sub3A_603 = arith.subf %sub3A_602, %slice3A_601 : vector<2304x128xf32>
    %slice3A_604 = vector.extract_strided_slice %broadcast_in_dim3A_10 {offsets = [0, 6912], sizes = [1, 128], strides = [1, 1]} : vector<1x8192xf32> to vector<1x128xf32>
    %add3A_605 = vector.broadcast %slice3A_604 : vector<1x128xf32> to vector<2304x128xf32>
    %add3A_606 = arith.addf %sub3A_603, %add3A_605 : vector<2304x128xf32>
    %lt3A_607 = arith.cmpf olt, %add3A_606, %min3A_597 : vector<2304x128xf32>
    %min3A_608 = arith.minimumf %min3A_597, %add3A_606 : vector<2304x128xf32>
    %jit3A_609 = arith.constant 5.400000e+01 : f32
    %broadcast_in_dim3A_610 = vector.broadcast %jit3A_609 : f32 to vector<2304x128xf32>
    %select_n3A_611 = arith.select %lt3A_607, %broadcast_in_dim3A_610, %select_n3A_600 : vector<2304x128xi1>, vector<2304x128xf32>
    %slice3A_612 = vector.extract_strided_slice %dot_general3A_358 {offsets = [0, 2944], sizes = [2304, 128], strides = [1, 1]} : vector<2304x4096xf32> to vector<2304x128xf32>
    %sub3A_613 = vector.broadcast %broadcast_in_dim3A : vector<2304x1xf32> to vector<2304x128xf32>
    %sub3A_614 = arith.subf %sub3A_613, %slice3A_612 : vector<2304x128xf32>
    %slice3A_615 = vector.extract_strided_slice %broadcast_in_dim3A_10 {offsets = [0, 7040], sizes = [1, 128], strides = [1, 1]} : vector<1x8192xf32> to vector<1x128xf32>
    %add3A_616 = vector.broadcast %slice3A_615 : vector<1x128xf32> to vector<2304x128xf32>
    %add3A_617 = arith.addf %sub3A_614, %add3A_616 : vector<2304x128xf32>
    %lt3A_618 = arith.cmpf olt, %add3A_617, %min3A_608 : vector<2304x128xf32>
    %min3A_619 = arith.minimumf %min3A_608, %add3A_617 : vector<2304x128xf32>
    %jit3A_620 = arith.constant 5.500000e+01 : f32
    %broadcast_in_dim3A_621 = vector.broadcast %jit3A_620 : f32 to vector<2304x128xf32>
    %select_n3A_622 = arith.select %lt3A_618, %broadcast_in_dim3A_621, %select_n3A_611 : vector<2304x128xi1>, vector<2304x128xf32>
    %slice3A_623 = vector.extract_strided_slice %dot_general3A_358 {offsets = [0, 3072], sizes = [2304, 128], strides = [1, 1]} : vector<2304x4096xf32> to vector<2304x128xf32>
    %sub3A_624 = vector.broadcast %broadcast_in_dim3A : vector<2304x1xf32> to vector<2304x128xf32>
    %sub3A_625 = arith.subf %sub3A_624, %slice3A_623 : vector<2304x128xf32>
    %slice3A_626 = vector.extract_strided_slice %broadcast_in_dim3A_10 {offsets = [0, 7168], sizes = [1, 128], strides = [1, 1]} : vector<1x8192xf32> to vector<1x128xf32>
    %add3A_627 = vector.broadcast %slice3A_626 : vector<1x128xf32> to vector<2304x128xf32>
    %add3A_628 = arith.addf %sub3A_625, %add3A_627 : vector<2304x128xf32>
    %lt3A_629 = arith.cmpf olt, %add3A_628, %min3A_619 : vector<2304x128xf32>
    %min3A_630 = arith.minimumf %min3A_619, %add3A_628 : vector<2304x128xf32>
    %jit3A_631 = arith.constant 5.600000e+01 : f32
    %broadcast_in_dim3A_632 = vector.broadcast %jit3A_631 : f32 to vector<2304x128xf32>
    %select_n3A_633 = arith.select %lt3A_629, %broadcast_in_dim3A_632, %select_n3A_622 : vector<2304x128xi1>, vector<2304x128xf32>
    %slice3A_634 = vector.extract_strided_slice %dot_general3A_358 {offsets = [0, 3200], sizes = [2304, 128], strides = [1, 1]} : vector<2304x4096xf32> to vector<2304x128xf32>
    %sub3A_635 = vector.broadcast %broadcast_in_dim3A : vector<2304x1xf32> to vector<2304x128xf32>
    %sub3A_636 = arith.subf %sub3A_635, %slice3A_634 : vector<2304x128xf32>
    %slice3A_637 = vector.extract_strided_slice %broadcast_in_dim3A_10 {offsets = [0, 7296], sizes = [1, 128], strides = [1, 1]} : vector<1x8192xf32> to vector<1x128xf32>
    %add3A_638 = vector.broadcast %slice3A_637 : vector<1x128xf32> to vector<2304x128xf32>
    %add3A_639 = arith.addf %sub3A_636, %add3A_638 : vector<2304x128xf32>
    %lt3A_640 = arith.cmpf olt, %add3A_639, %min3A_630 : vector<2304x128xf32>
    %min3A_641 = arith.minimumf %min3A_630, %add3A_639 : vector<2304x128xf32>
    %jit3A_642 = arith.constant 5.700000e+01 : f32
    %broadcast_in_dim3A_643 = vector.broadcast %jit3A_642 : f32 to vector<2304x128xf32>
    %select_n3A_644 = arith.select %lt3A_640, %broadcast_in_dim3A_643, %select_n3A_633 : vector<2304x128xi1>, vector<2304x128xf32>
    %slice3A_645 = vector.extract_strided_slice %dot_general3A_358 {offsets = [0, 3328], sizes = [2304, 128], strides = [1, 1]} : vector<2304x4096xf32> to vector<2304x128xf32>
    %sub3A_646 = vector.broadcast %broadcast_in_dim3A : vector<2304x1xf32> to vector<2304x128xf32>
    %sub3A_647 = arith.subf %sub3A_646, %slice3A_645 : vector<2304x128xf32>
    %slice3A_648 = vector.extract_strided_slice %broadcast_in_dim3A_10 {offsets = [0, 7424], sizes = [1, 128], strides = [1, 1]} : vector<1x8192xf32> to vector<1x128xf32>
    %add3A_649 = vector.broadcast %slice3A_648 : vector<1x128xf32> to vector<2304x128xf32>
    %add3A_650 = arith.addf %sub3A_647, %add3A_649 : vector<2304x128xf32>
    %lt3A_651 = arith.cmpf olt, %add3A_650, %min3A_641 : vector<2304x128xf32>
    %min3A_652 = arith.minimumf %min3A_641, %add3A_650 : vector<2304x128xf32>
    %jit3A_653 = arith.constant 5.800000e+01 : f32
    %broadcast_in_dim3A_654 = vector.broadcast %jit3A_653 : f32 to vector<2304x128xf32>
    %select_n3A_655 = arith.select %lt3A_651, %broadcast_in_dim3A_654, %select_n3A_644 : vector<2304x128xi1>, vector<2304x128xf32>
    %slice3A_656 = vector.extract_strided_slice %dot_general3A_358 {offsets = [0, 3456], sizes = [2304, 128], strides = [1, 1]} : vector<2304x4096xf32> to vector<2304x128xf32>
    %sub3A_657 = vector.broadcast %broadcast_in_dim3A : vector<2304x1xf32> to vector<2304x128xf32>
    %sub3A_658 = arith.subf %sub3A_657, %slice3A_656 : vector<2304x128xf32>
    %slice3A_659 = vector.extract_strided_slice %broadcast_in_dim3A_10 {offsets = [0, 7552], sizes = [1, 128], strides = [1, 1]} : vector<1x8192xf32> to vector<1x128xf32>
    %add3A_660 = vector.broadcast %slice3A_659 : vector<1x128xf32> to vector<2304x128xf32>
    %add3A_661 = arith.addf %sub3A_658, %add3A_660 : vector<2304x128xf32>
    %lt3A_662 = arith.cmpf olt, %add3A_661, %min3A_652 : vector<2304x128xf32>
    %min3A_663 = arith.minimumf %min3A_652, %add3A_661 : vector<2304x128xf32>
    %jit3A_664 = arith.constant 5.900000e+01 : f32
    %broadcast_in_dim3A_665 = vector.broadcast %jit3A_664 : f32 to vector<2304x128xf32>
    %select_n3A_666 = arith.select %lt3A_662, %broadcast_in_dim3A_665, %select_n3A_655 : vector<2304x128xi1>, vector<2304x128xf32>
    %slice3A_667 = vector.extract_strided_slice %dot_general3A_358 {offsets = [0, 3584], sizes = [2304, 128], strides = [1, 1]} : vector<2304x4096xf32> to vector<2304x128xf32>
    %sub3A_668 = vector.broadcast %broadcast_in_dim3A : vector<2304x1xf32> to vector<2304x128xf32>
    %sub3A_669 = arith.subf %sub3A_668, %slice3A_667 : vector<2304x128xf32>
    %slice3A_670 = vector.extract_strided_slice %broadcast_in_dim3A_10 {offsets = [0, 7680], sizes = [1, 128], strides = [1, 1]} : vector<1x8192xf32> to vector<1x128xf32>
    %add3A_671 = vector.broadcast %slice3A_670 : vector<1x128xf32> to vector<2304x128xf32>
    %add3A_672 = arith.addf %sub3A_669, %add3A_671 : vector<2304x128xf32>
    %lt3A_673 = arith.cmpf olt, %add3A_672, %min3A_663 : vector<2304x128xf32>
    %min3A_674 = arith.minimumf %min3A_663, %add3A_672 : vector<2304x128xf32>
    %jit3A_675 = arith.constant 6.000000e+01 : f32
    %broadcast_in_dim3A_676 = vector.broadcast %jit3A_675 : f32 to vector<2304x128xf32>
    %select_n3A_677 = arith.select %lt3A_673, %broadcast_in_dim3A_676, %select_n3A_666 : vector<2304x128xi1>, vector<2304x128xf32>
    %slice3A_678 = vector.extract_strided_slice %dot_general3A_358 {offsets = [0, 3712], sizes = [2304, 128], strides = [1, 1]} : vector<2304x4096xf32> to vector<2304x128xf32>
    %sub3A_679 = vector.broadcast %broadcast_in_dim3A : vector<2304x1xf32> to vector<2304x128xf32>
    %sub3A_680 = arith.subf %sub3A_679, %slice3A_678 : vector<2304x128xf32>
    %slice3A_681 = vector.extract_strided_slice %broadcast_in_dim3A_10 {offsets = [0, 7808], sizes = [1, 128], strides = [1, 1]} : vector<1x8192xf32> to vector<1x128xf32>
    %add3A_682 = vector.broadcast %slice3A_681 : vector<1x128xf32> to vector<2304x128xf32>
    %add3A_683 = arith.addf %sub3A_680, %add3A_682 : vector<2304x128xf32>
    %lt3A_684 = arith.cmpf olt, %add3A_683, %min3A_674 : vector<2304x128xf32>
    %min3A_685 = arith.minimumf %min3A_674, %add3A_683 : vector<2304x128xf32>
    %jit3A_686 = arith.constant 6.100000e+01 : f32
    %broadcast_in_dim3A_687 = vector.broadcast %jit3A_686 : f32 to vector<2304x128xf32>
    %select_n3A_688 = arith.select %lt3A_684, %broadcast_in_dim3A_687, %select_n3A_677 : vector<2304x128xi1>, vector<2304x128xf32>
    %slice3A_689 = vector.extract_strided_slice %dot_general3A_358 {offsets = [0, 3840], sizes = [2304, 128], strides = [1, 1]} : vector<2304x4096xf32> to vector<2304x128xf32>
    %sub3A_690 = vector.broadcast %broadcast_in_dim3A : vector<2304x1xf32> to vector<2304x128xf32>
    %sub3A_691 = arith.subf %sub3A_690, %slice3A_689 : vector<2304x128xf32>
    %slice3A_692 = vector.extract_strided_slice %broadcast_in_dim3A_10 {offsets = [0, 7936], sizes = [1, 128], strides = [1, 1]} : vector<1x8192xf32> to vector<1x128xf32>
    %add3A_693 = vector.broadcast %slice3A_692 : vector<1x128xf32> to vector<2304x128xf32>
    %add3A_694 = arith.addf %sub3A_691, %add3A_693 : vector<2304x128xf32>
    %lt3A_695 = arith.cmpf olt, %add3A_694, %min3A_685 : vector<2304x128xf32>
    %min3A_696 = arith.minimumf %min3A_685, %add3A_694 : vector<2304x128xf32>
    %jit3A_697 = arith.constant 6.200000e+01 : f32
    %broadcast_in_dim3A_698 = vector.broadcast %jit3A_697 : f32 to vector<2304x128xf32>
    %select_n3A_699 = arith.select %lt3A_695, %broadcast_in_dim3A_698, %select_n3A_688 : vector<2304x128xi1>, vector<2304x128xf32>
    %slice3A_700 = vector.extract_strided_slice %dot_general3A_358 {offsets = [0, 3968], sizes = [2304, 128], strides = [1, 1]} : vector<2304x4096xf32> to vector<2304x128xf32>
    %sub3A_701 = vector.broadcast %broadcast_in_dim3A : vector<2304x1xf32> to vector<2304x128xf32>
    %sub3A_702 = arith.subf %sub3A_701, %slice3A_700 : vector<2304x128xf32>
    %slice3A_703 = vector.extract_strided_slice %broadcast_in_dim3A_10 {offsets = [0, 8064], sizes = [1, 128], strides = [1, 1]} : vector<1x8192xf32> to vector<1x128xf32>
    %add3A_704 = vector.broadcast %slice3A_703 : vector<1x128xf32> to vector<2304x128xf32>
    %add3A_705 = arith.addf %sub3A_702, %add3A_704 : vector<2304x128xf32>
    %lt3A_706 = arith.cmpf olt, %add3A_705, %min3A_696 : vector<2304x128xf32>
    %min3A_707 = arith.minimumf %min3A_696, %add3A_705 : vector<2304x128xf32>
    %jit3A_708 = arith.constant 6.300000e+01 : f32
    %broadcast_in_dim3A_709 = vector.broadcast %jit3A_708 : f32 to vector<2304x128xf32>
    %select_n3A_710 = arith.select %lt3A_706, %broadcast_in_dim3A_709, %select_n3A_699 : vector<2304x128xi1>, vector<2304x128xf32>
    %reduce_min3A = arith.constant dense<0x7F800000> : vector<2304xf32>
    %reduce_min3A_711 = vector.multi_reduction <minimumf>, %min3A_707, %reduce_min3A [1] : vector<2304x128xf32> to vector<2304xf32>
    %iota3A = tpu.iota {dimensions = array<i32: 1>} : vector<2304x128xi32>
    %convert_element_type3A = arith.sitofp %iota3A : vector<2304x128xi32> to vector<2304x128xf32>
    %mul3A_712 = arith.constant 1.280000e+02 : f32
    %mul3A_713 = vector.broadcast %mul3A_712 : f32 to vector<2304x128xf32>
    %mul3A_714 = arith.mulf %select_n3A_710, %mul3A_713 : vector<2304x128xf32>
    %add3A_715 = arith.addf %mul3A_714, %convert_element_type3A : vector<2304x128xf32>
    %broadcast_in_dim3A_716 = vector.shape_cast %reduce_min3A_711 : vector<2304xf32> to vector<2304x1xf32>
    %eq3A = vector.broadcast %broadcast_in_dim3A_716 : vector<2304x1xf32> to vector<2304x128xf32>
    %eq3A_717 = arith.cmpf oeq, %min3A_707, %eq3A : vector<2304x128xf32>
    %jit3A_718 = arith.constant 0x7F800000 : f32
    %broadcast_in_dim3A_719 = vector.broadcast %jit3A_718 : f32 to vector<2304x128xf32>
    %select_n3A_720 = arith.select %eq3A_717, %add3A_715, %broadcast_in_dim3A_719 : vector<2304x128xi1>, vector<2304x128xf32>
    %reduce_min3A_721 = arith.constant dense<0x7F800000> : vector<2304xf32>
    %reduce_min3A_722 = vector.multi_reduction <minimumf>, %select_n3A_720, %reduce_min3A_721 [1] : vector<2304x128xf32> to vector<2304xf32>
    %convert_element_type3A_723 = arith.fptosi %reduce_min3A_722 : vector<2304xf32> to vector<2304xi32>
    %reshape3A_724 = vector.shape_cast %convert_element_type3A_723 : vector<2304xi32> to vector<4x576xi32>
    %eq3A_725 = arith.constant 0 : i32
    %eq3A_726 = arith.cmpi eq, %arg0, %eq3A_725 : i32
    %convert_element_type3A_727 = arith.extui %eq3A_726 : i1 to i32
    %cond3A = arith.constant 0 : i32
    %cond3A_728 = arith.cmpi ne, %convert_element_type3A_727, %cond3A : i32
    scf.if %cond3A_728 {
      %swap3A_758 = arith.constant 0 : index
      %swap3A_759 = arith.constant 0 : index
      %swap3A_760 = vector.load %arg3[%swap3A_758, %swap3A_759] : memref<8x576xi32, #tpu.memory_space<vmem>>, vector<4x576xi32>
      tpu.vector_store %arg3[%swap3A_758, %swap3A_759], %reshape3A_724 {strides = array<i32>} : memref<8x576xi32, #tpu.memory_space<vmem>>, vector<4x576xi32>,
    } else {
    }
    %eq3A_729 = arith.constant 1 : i32
    %eq3A_730 = arith.cmpi eq, %arg0, %eq3A_729 : i32
    %convert_element_type3A_731 = arith.extui %eq3A_730 : i1 to i32
    %cond3A_732 = arith.constant 0 : i32
    %cond3A_733 = arith.cmpi ne, %convert_element_type3A_731, %cond3A_732 : i32
    scf.if %cond3A_733 {
      %swap3A_758 = arith.constant 4 : index
      %swap3A_759 = arith.constant 0 : index
      %swap3A_760 = vector.load %arg3[%swap3A_758, %swap3A_759] : memref<8x576xi32, #tpu.memory_space<vmem>>, vector<4x576xi32>
      tpu.vector_store %arg3[%swap3A_758, %swap3A_759], %reshape3A_724 {strides = array<i32>} : memref<8x576xi32, #tpu.memory_space<vmem>>, vector<4x576xi32>,
    } else {
    }
    %mul3A_734 = arith.constant 2304 : i32
    %mul3A_735 = arith.muli %arg0, %mul3A_734 : i32
    %swap3A = arith.index_cast %mul3A_735 : i32 to index
    %swap3A_736 = vector.load %arg4[%swap3A] : memref<4608xi32, #tpu.memory_space<vmem>>, vector<2304xi32>
    tpu.vector_store %arg4[%swap3A], %convert_element_type3A_723 {strides = array<i32>} : memref<4608xi32, #tpu.memory_space<vmem>>, vector<2304xi32>,
    %reduce_sum3A_737 = vector.shape_cast %reduce_min3A_711 : vector<2304xf32> to vector<1x2304xf32>
    %reduce_sum3A_738 = arith.constant dense<0.000000e+00> : vector<1xf32>
    %reduce_sum3A_739 = vector.multi_reduction <add>, %reduce_sum3A_737, %reduce_sum3A_738 [1] : vector<1x2304xf32> to vector<1xf32>
    %reduce_sum3A_740 = vector.shape_cast %reduce_sum3A_739 : vector<1xf32> to vector<1x1xf32>
    %reduce_sum3A_741 = vector.extract %reduce_sum3A_740[0, 0] : f32 from vector<1x1xf32>
    %broadcast_in_dim3A_742 = vector.broadcast %reduce_sum3A_741 : f32 to vector<1x1xf32>
    %mul3A_743 = arith.constant 6.78168407E-6 : f32
    %mul3A_744 = vector.broadcast %mul3A_743 : f32 to vector<1x1xf32>
    %mul3A_745 = arith.mulf %broadcast_in_dim3A_742, %mul3A_744 : vector<1x1xf32>
    %eq3A_746 = arith.constant 0 : i32
    %eq3A_747 = arith.cmpi eq, %arg0, %eq3A_746 : i32
    %convert_element_type3A_748 = arith.extui %eq3A_747 : i1 to i32
    %cond3A_749 = arith.constant 0 : i32
    %cond3A_750 = arith.cmpi ne, %convert_element_type3A_748, %cond3A_749 : i32
    scf.if %cond3A_750 {
      %broadcast_in_dim3A_758 = arith.constant 0.000000e+00 : f32
      %broadcast_in_dim3A_759 = vector.broadcast %broadcast_in_dim3A_758 : f32 to vector<1x1xf32>
      %swap3A_760 = arith.constant 0 : index
      %swap3A_761 = arith.constant 0 : index
      %swap3A_762 = vector.load %arg5[%swap3A_760, %swap3A_761] : memref<1x1xf32, #tpu.memory_space<vmem>>, vector<1x1xf32>
      tpu.vector_store %arg5[%swap3A_760, %swap3A_761], %broadcast_in_dim3A_759 {strides = array<i32>} : memref<1x1xf32, #tpu.memory_space<vmem>>, vector<1x1xf32>,
    } else {
    }
    %get3A_751 = arith.constant 0 : index
    %get3A_752 = arith.constant 0 : index
    %get3A_753 = vector.load %arg5[%get3A_751, %get3A_752] : memref<1x1xf32, #tpu.memory_space<vmem>>, vector<1x1xf32>
    %add3A_754 = arith.addf %get3A_753, %mul3A_745 : vector<1x1xf32>
    %swap3A_755 = arith.constant 0 : index
    %swap3A_756 = arith.constant 0 : index
    %swap3A_757 = vector.load %arg5[%swap3A_755, %swap3A_756] : memref<1x1xf32, #tpu.memory_space<vmem>>, vector<1x1xf32>
    tpu.vector_store %arg5[%swap3A_755, %swap3A_756], %add3A_754 {strides = array<i32>} : memref<1x1xf32, #tpu.memory_space<vmem>>, vector<1x1xf32>,
    return
  }
  func.func @transform_0(%arg0: i32) -> (i32, i32, i32) {
    %c0_i32 = arith.constant 0 : i32
    %c0_i32_0 = arith.constant 0 : i32
    %c0_i32_1 = arith.constant 0 : i32
    return %arg0, %c0_i32, %c0_i32_0 : i32, i32, i32
  }
  func.func @transform_1(%arg0: i32) -> (i32, i32) {
    %c0_i32 = arith.constant 0 : i32
    %c0_i32_0 = arith.constant 0 : i32
    %c0_i32_1 = arith.constant 0 : i32
    return %c0_i32, %c0_i32_0 : i32, i32
  }
  func.func @transform_2(%arg0: i32) -> (i32, i32) {
    %c0_i32 = arith.constant 0 : i32
    %c0_i32_0 = arith.constant 0 : i32
    %c0_i32_1 = arith.constant 0 : i32
    return %c0_i32, %c0_i32_0 : i32, i32
  }
  func.func @transform_3(%arg0: i32) -> i32 {
    %c0_i32 = arith.constant 0 : i32
    %c0_i32_0 = arith.constant 0 : i32
    return %c0_i32 : i32
  }
  func.func @transform_4(%arg0: i32) -> (i32, i32) {
    %c0_i32 = arith.constant 0 : i32
    %c0_i32_0 = arith.constant 0 : i32
    %c0_i32_1 = arith.constant 0 : i32
    return %c0_i32, %c0_i32_0 : i32, i32
  }
}

</mosaic_0001>

<sc_bundles>
// kernel: kernel.4.cloned.1.call-start
scs
__scs_entry_jumppad:
0x0: {  	(pc) =	sbr.rel $0x88, $3  }
0x1: {  	(tag) =	ssettag $0x0;
	lr =	simm.s32 $0x1  }
0x2: {  	[smem:$0x3F9F] =	sst lr;
	_ =	strace $0xD0000000  }
0x3: {  	_ = 	snop  }
0x4: {  	_ = 	snop  }
0x5: {  	_ = 	snop  }
0x6: {  	_ = 	snop  }
0x7: {  	_ = 	snop  }
__scs_overlays_trampoline_lowered:
0x8: {  	[smem:$0x3FAE] =	sst s0  }
0x9: {  	[smem:$0x3FAF] =	sst s1  }
0xa: {  	[smem:$0x3FB0] =	sst s2  }
0xb: {  	[smem:$0x3FB1] =	sst s3  }
0xc: {  	[smem:$0x3FB2] =	sst s4  }
0xd: {  	[smem:$0x3FB3] =	sst s5  }
0xe: {  	[smem:$0x3FB4] =	sst s6  }
0xf: {  	[smem:$0x3FB5] =	sst s7  }
0x10: {  	[smem:$0x3FB6] =	sst s8  }
0x11: {  	[smem:$0x3FB7] =	sst s9;
	s0 =	simm.s32 @!p0 $0x0  }
0x12: {  	s1 =	sld [smem:$0x3F9D];
	s0 =	simm.s32 @p0 $0x1  }
0x13: {  	[smem:$0x3FB8] =	sst s0;
	s0 =	simm.s32 @!p1 $0x0  }
0x14: {  	s2 =	sld [smem:$0x3F9C];
	s0 =	simm.s32 @p1 $0x1  }
0x15: {  	[smem:$0x3FB9] =	sst s0;
	s0 =	simm.s32 @!p2 $0x0  }
0x16: {  	s3 =	sld [smem:$0x3FDB];
	s0 =	simm.s32 @p2 $0x1  }
0x17: {  	s4 =	simm.s32 $0x1BF5;
	[smem:$0x3FBB] =	sst s0  }
0x18: {  	s0 =	sld [smem:$0x3F9E];
	_ =	swait.ge [sflag:s4], $0x0  }
0x19: {  	s7 =	sld [smem:$0x3F9F]  }
0x1a: {  	s8 =	sadd.s32 $0xFFFFE003, lr  }
0x1b: {  	s9 =	sadd.s32 $0xFFFFFEF7, lr;
	s5 =	simm.s32 $0xFFFFFFFF;
	p2 =	slt.u32 s8, $0xFFFFF086  }
0x1c: {  	p1 =	slt.u32 s9, $0xF7A;
	s5 =	simm.s32 @!p2 $0x0  }
0x1d: {  	s5 =	simm.s32 @p1 $0x1;
	p0 =	seq.s32 s7, s2  }
0x1e: {  	s7 =	smul.u32 @!p0 $0xF7A, s2;
	p2 =	seq.s32 @!p0 s5, $0x0  }
0x1f: {  	s9 =	smul.u32 $0xF7A, s1;
	s8 =	simm.s32 @!p0 $0x1BF5;
	p2 =	por !p2, p0  }
0x20: {  	[sflag:s8] =	ssyncset.s32 @!p0 $0xFFFFF086;
	s6 =	sadd.s32 @!p0 s3, s7;
	s7 =	simm.s32 @!p0 $0x108  }
0x21: {  	s3 =	sadd.s32 s3, s9;
	s6 =	sadd.s32 @!p0 $0x88, s6;
	s7 =	simm.s32 @p2 $0x1082  }
0x22: {  	[simem:s7], [sflag:s8] =	dma.local @!p0 [hbm:s6], $0xF7A  }
0x23: {  	s9 =	sor.u32 $0xD0000000, s2;
	s6 =	simm.s32 $0x108;
	_ =	swait.ge @!p0 [sflag:s8], $0x0  }
0x24: {  	s3 =	sadd.s32 $0x88, s3;
	s6 =	simm.s32 @!p1 $0x1082;
	[sflag:s4] =	ssyncset.s32 $0xFFFFF086  }
0x25: {  	[simem:s6], [sflag:s4] =	dma.local [hbm:s3], $0xF7A  }
0x26: {  	[smem:$0x3F9F] =	sst s1;
	(tag) =	ssettag s2;
	_ =	strace s9  }
0x27: {  	s1 =	sld [smem:$0x3FAF]  }
0x28: {  	s2 =	sld [smem:$0x3FB0]  }
0x29: {  	s4 =	sld [smem:$0x3FB2]  }
0x2a: {  	p0 =	seq.s32 s5, $0x0;
	s5 =	sld [smem:$0x3FB3]  }
0x2b: {  	s6 =	sld [smem:$0x3FB4]  }
0x2c: {  	s7 =	sld [smem:$0x3FB5]  }
0x2d: {  	s3 =	simm.s32 $0x108;
	s8 =	sld [smem:$0x3FB6]  }
0x2e: {  	s3 =	simm.s32 @!p0 $0x1082;
	s9 =	sld [smem:$0x3FB7]  }
0x2f: {  	lr =	sadd.s32 s0, s3;
	s0 =	sld [smem:$0x3FAE]  }
0x30: {  	s3 =	sld [smem:$0x3FB1]  }
0x31: {  	[smem:$0x3FBA] =	sst s10  }
0x32: {  	s10 =	sld [smem:$0x3FB8];
	_ =	sdelay $0x3  }
0x33: {  	p0 =	seq.s32 s10, $0x1;
	s10 =	sld [smem:$0x3FBA];
	_ =	sdelay $0x3  }
0x34: {  	[smem:$0x3FBA] =	sst s10  }
0x35: {  	s10 =	sld [smem:$0x3FB9];
	_ =	sdelay $0x3  }
0x36: {  	p1 =	seq.s32 s10, $0x1;
	s10 =	sld [smem:$0x3FBA];
	_ =	sdelay $0x3  }
0x37: {  	[smem:$0x3FBA] =	sst s10  }
0x38: {  	s10 =	sld [smem:$0x3FBB]  }
0x39: {  	_ = 	snop;
	(pc) =	sbr.ind lr, $3  }
0x3a: {  	_ = 	snop  }
0x3b: {  	_ = 	snop  }
0x3c: {  	p2 =	seq.s32 s10, $0x1;
	s10 =	sld [smem:$0x3FBA]  }
0x3d: {  	_ =	shalt  }
0x3e: {  	_ =	shalt  }
0x3f: {  	_ =	shalt  }
0x40: {  	_ =	shalt  }
0x41: {  	_ =	shalt  }
0x42: {  	_ =	shalt  }
0x43: {  	_ =	shalt  }
0x44: {  	_ =	shalt  }
0x45: {  	_ =	shalt  }
0x46: {  	_ =	shalt  }
0x47: {  	_ =	shalt  }
0x48: {  	_ =	shalt  }
0x49: {  	_ =	shalt  }
0x4a: {  	_ =	shalt  }
0x4b: {  	_ =	shalt  }
0x4c: {  	_ =	shalt  }
0x4d: {  	_ =	shalt  }
0x4e: {  	_ =	shalt  }
0x4f: {  	_ =	shalt  }
0x50: {  	_ =	shalt  }
0x51: {  	_ =	shalt  }
0x52: {  	_ =	shalt  }
0x53: {  	_ =	shalt  }
0x54: {  	_ =	shalt  }
0x55: {  	_ =	shalt  }
0x56: {  	_ =	shalt  }
0x57: {  	_ =	shalt  }
0x58: {  	_ =	shalt  }
0x59: {  	_ =	shalt  }
0x5a: {  	_ =	shalt  }
0x5b: {  	_ =	shalt  }
0x5c: {  	_ =	shalt  }
0x5d: {  	_ =	shalt  }
0x5e: {  	_ =	shalt  }
0x5f: {  	_ =	shalt  }
0x60: {  	_ =	shalt  }
0x61: {  	_ =	shalt  }
0x62: {  	_ =	shalt  }
0x63: {  	_ =	shalt  }
0x64: {  	_ =	shalt  }
0x65: {  	_ =	shalt  }
0x66: {  	_ =	shalt  }
0x67: {  	_ =	shalt  }
0x68: {  	_ =	shalt  }
0x69: {  	_ =	shalt  }
0x6a: {  	_ =	shalt  }
0x6b: {  	_ =	shalt  }
0x6c: {  	_ =	shalt  }
0x6d: {  	_ =	shalt  }
0x6e: {  	_ =	shalt  }
0x6f: {  	_ =	shalt  }
0x70: {  	_ =	shalt  }
0x71: {  	_ =	shalt  }
0x72: {  	_ =	shalt  }
0x73: {  	_ =	shalt  }
0x74: {  	_ =	shalt  }
0x75: {  	_ =	shalt  }
0x76: {  	_ =	shalt  }
0x77: {  	_ =	shalt  }
0x78: {  	_ =	shalt  }
0x79: {  	_ =	shalt  }
0x7a: {  	_ =	shalt  }
0x7b: {  	_ =	shalt  }
0x7c: {  	_ =	shalt  }
0x7d: {  	_ =	shalt  }
0x7e: {  	_ =	shalt  }
0x7f: {  	_ =	shalt  }
0x80: {  	_ =	shalt  }
0x81: {  	_ =	shalt  }
0x82: {  	_ =	shalt  }
0x83: {  	_ =	shalt  }
0x84: {  	_ =	shalt  }
0x85: {  	_ =	shalt  }
0x86: {  	_ =	shalt  }
0x87: {  	_ =	shalt  }
.Lfunc_end0:
.L_simem_size_0:
called_computation_lowered:
.L_overlay_start_0:
0x88: {  	s2 =	sld [smem:$0x3FD9]  }
0x89: {  	s3 =	sld [smem:$0x3FFE];
	_ =	sdelay $0x1  }
0x8a: {  	s1 =	srdreg.scid  }
0x8b: {  	s0 =	sand.u32 $0x1, s1  }
0x8c: {  	s14 =	sshll.u32 s0, $0xA;
	s2 =	sadd.s32 s3, s2  }
0x8d: {  	s2 =	sadd.s32 s2, s14  }
0x8e: {  	[smem:$0x3FC6] =	sst s2  }
0x8f: {  	_ = 	snop  }
0x90: {  	s2 =	sld [smem:$0x3FD0];
	_ =	sdelay $0x2  }
0x91: {  	s15 =	simm.s32 $0xA;
	s4 =	simm.s32 $0x10  }
0x92: {  	[smem:s4], [sflag:s15] =	dma.local [hbm:s2], $0x1  }
0x93: {  	_ =	swait.eq [sflag:s15], $0x1  }
0x94: {  	[sflag:s15] =	ssyncset.done $0x0  }
0x95: {  	[sflag:s15] =	ssyncadd.s32 $0xFFFFFFFF  }
0x96: {  	s16 =	sld [smem:$0x10];
	(tm) =	ssettm $0x1  }
0x97: {  	s17 =	sld [smem:$0x3FFB];
	_ =	sdelay $0x3  }
0x98: {  	_ =	strace s17  }
0x99: {  	s3 =	sld [smem:$0x3FFC];
	_ =	sdelay $0x3  }
0x9a: {  	_ =	strace s3  }
0x9b: {  	s3 =	sld [smem:$0x3FFD];
	_ =	sdelay $0x3  }
0x9c: {  	_ =	strace s3  }
0x9d: {  	_ =	strace $0x8FFFFFFF  }
0x9e: {  	s18 =	sld [smem:$0x3FDB];
	_ =	sdelay $0x1  }
0x9f: {  	s19 =	simm.s32 $_scs_section_size  }
0xa0: {  	s5 =	simm.s32 $_size__tile_overlayer_lowered;
	s6 =	simm.s32 $_tile_overlayer_lowered  }
0xa1: {  	s22 =	simm.s32 $0x1BFF;
	s21 =	sshll.u32 s6, $0x1;
	s3 =	sadd.s32 s19, s18  }
0xa2: {  	s7 =	simm.s32 $0x0;
	s20 =	sshll.u32 s5, $0x1;
	s5 =	sadd.s32 s21, s3  }
0xa3: {  	[timem:s7], [sflag:s22] =	dma.local [hbm:s5], s20  }
0xa4: {  	_ =	swait.ge [sflag:s22], s20  }
0xa5: {  	s4 =	ssub.s32 $0x0, s20;
	[sflag:s22] =	ssyncset.done $0x0  }
0xa6: {  	[sflag:s22] =	ssyncadd.s32 s4;
	_ =	sdelay $0x1  }
0xa7: {  	s23 =	simm.s32 $0x1B8B  }
0xa8: {  	_ =	swait.ge [sflag:s23], $0x1  }
0xa9: {  	[sflag:s23] =	ssyncset.done $0x0  }
0xaa: {  	s25 =	simm.s32 $0x1B8E;
	s24 =	sld [smem:$0x3FFE];
	[sflag:s23] =	ssyncadd.s32 $0xFFFFFFFF  }
0xab: {  	s26 =	simm.s32 $execute0_lowered;
	[smem:$0x3FD2] =	sst s25  }
0xac: {  	s5 =	sshll.u32 s26, $0x1;
	_ =	strace $0x80000046;
	[dreg:$0x1] =	wrdreg $0xFFFFFFFF  }
0xad: {  	s28 =	simm.s32 $_size_execute0_lowered;
	s3 =	sadd.s32 s3, s5;
	[dreg:$0x0] =	wrdreg $0x0  }
0xae: {  	s5 =	sshll.u32 s28, $0x1;
	[dreg:$0x2] =	wrdreg s3  }
0xaf: {  	[dreg:$0x3] =	wrdreg s5  }
0xb0: {  	[dreg:$0x4] =	wrdreg $0xC0  }
0xb1: {  	_ =	task [dreg:s7], $0x5FFFF  }
0xb2: {  	[dreg:$0x1] =	wrdreg $0xFFFFFFFF  }
0xb3: {  	[dreg:$0x0] =	wrdreg $0x60  }
0xb4: {  	[dreg:$0x2] =	wrdreg s24  }
0xb5: {  	[dreg:$0x3] =	wrdreg s16  }
0xb6: {  	[dreg:$0x4] =	wrdreg $0x9  }
0xb7: {  	_ =	task.clear_ibuf [dreg:s7], $0x5FFFF;
	_ =	strace $0x90000046  }
0xb8: {  	s29 =	simm.s32 $0x9;
	_ =	strace $0x80000048  }
0xb9: {  	_ =	swait.ge [sflag:s29], $0x1  }
0xba: {  	[sflag:s29] =	ssyncadd.s32 $0xFFFFFFFF  }
0xbb: {  	_ =	strace $0x90000048  }
0xbc: {  	_ =	sfence  }
0xbd: {  	s30 =	sld [smem:$0x0];
	_ =	sdelay $0x2  }
0xbe: {  	s31 =	sshll.u32 s1, $0xD;
	s1 =	sshrl.u32 s1, $0x2  }
0xbf: {  	s3 =	sand.u32 $0x4000, s31;
	s1 =	sadd.s32 s1, s30  }
0xc0: {  	s0 =	sor.u32 s3, s0;
	s1 =	sshll.u32 s1, $0x11  }
0xc1: {  	s0 =	sor.u32 s1, s0  }
0xc2: {  	s0 =	sadd.s32 $0x8F2B, s0  }
0xc3: {  	[sflag:s0] =	ssyncadd.remote.s32 $0x1  }
0xc4: {  	_ =	sfence.sel $0xFFFF  }
0xc5: {  	[dreg:$0x0] =	wrdreg $0xFFFFFFFF;
	(pc) =	sbr.abs _section_cstart, $3  }
0xc6: {  	[dreg:$0x1] =	wrdreg $0xFFFFFFFF  }
0xc7: {  	_ =	task.clear_ibuf [dreg:s7], $0x2FFFF;
	_ =	strace $0x9FFFFFFF  }
0xc8: {  	(tm) =	ssettm $0x7FFFFFFF  }
0xc9: {  	_ =	shalt  }
tec
execute0_lowered:
.L_overlay_start_1:
0x0: {  	(tag) =	ssettag $0x1  }
0x1: {  	s0 =	stileid.u32  }
0x2: {  	s1 =	srdreg.scid;
	s2 =	sshll.u32 s0, $0x1  }
0x3: {  	s12 =	sand.u32 $0x1, s1;
	s8 =	sshrl.u32 s0, $0x1;
	s30 =	sand.u32 $0x2, s2  }
0x4: {  	s3 =	smul.u32 $0x240, s8;
	s9 =	sor.u32 s12, s30  }
0x5: {  	s7 =	rddreg [dreg:$0x0];
	s4 =	smul.u32 $0x90, s9  }
0x6: {  	s11 =	rddreg [dreg:$0x1]  }
0x7: {  	s1 =	rddreg [dreg:$0x2];
	s2 =	simm.s32 $0x0;
	s5 =	sadd.s32 s3, s4  }
0x8: {  	s6 =	sadd.s32 $0x8C00, s7;
	[smem:$0x7FF] =	sst s2;
	s3 =	sshrl.u32 s5, $0x3  }
0x9: {  	_ =	strace $0x80000047;
	s4 =	sadd.s32 s6, s3;
	s3 =	simm.s32 $0x2  }
0xa: {  	[tilespmem:s2], [sflag:$0x2] =	stream.linear.gather [hbm4b:s4+s2], $0x48, $0x38;
	[tilespmem:$0x1290] =	vst v63  }
0xb: {  	s5 =	sadd.s32 $0x48, s5;
	_ =	swait.ge [sflag:s3], $0x48  }
0xc: {  	s5 =	sshrl.u32 s5, $0x3;
	[sflag:s3] =	ssyncset.done $0x0  }
0xd: {  	s5 =	sadd.s32 s6, s5;
	s6 =	simm.s32 $0x48;
	[sflag:s3] =	ssyncadd.s32 $0xFFFFFFB8  }
0xe: {  	[tilespmem:s6], [sflag:$0x2] =	stream.linear.gather [hbm4b:s5+s2], $0x48, $0x38;
	[tilespmem:$0x1290] =	vst v63  }
0xf: {  	_ =	swait.ge [sflag:s3], $0x48  }
0x10: {  	s7 =	sadd.s32 $0xC00, s7;
	[sflag:s3] =	ssyncset.done $0x0  }
0x11: {  	s13 =	smul.u32 $0x4800, s8;
	s8 =	simm.s32 $0x90;
	[sflag:s3] =	ssyncadd.s32 $0xFFFFFFB8  }
0x12: {  	[tilespmem:s8], [sflag:$0x1] =	stream.indirect.gather [hbm4b:s7+s6], $0x20, s2, s6, $0xb8;
	[tilespmem:$0x1290] =	vst v63  }
0x13: {  	s10 =	simm.s32 $0x1;
	s14 =	smul.u32 $0x1200, s9;
	s9 =	simm.s32 $0x990  }
0x14: {  	[tilespmem:s9], [sflag:$0x1] =	stream.indirect.gather [hbm4b:s7+s6], $0x20, s6, s6, $0xb8;
	[tilespmem:$0x1290] =	vst v63  }
0x15: {  	s13 =	sadd.s32 s13, s14;
	_ =	swait.ge [sflag:s10], $0x900  }
0x16: {  	s13 =	sshrl.u32 s13, $0x3;
	[sflag:s10] =	ssyncset.done $0x0  }
0x17: {  	s12 =	ssub.s32 $0x2, s12;
	s11 =	sadd.s32 s11, s13;
	[sflag:s10] =	ssyncadd.s32 $0xFFFFF700  }
0x18: {  	[hbm4b:s11+s2] =	stream.linear.scatter [tilespmem:s8], [sflag:$0x2], $0x900, $0x38;
	[tilespmem:$0x1290] =	vst v63  }
0x19: {  	s31 =	sshrl.u32 s12, $0x1;
	_ =	swait.ge [sflag:s3], $0x900  }
0x1a: {  	s13 =	ssub.s32 s12, s31;
	[sflag:s3] =	ssyncset.done $0x0  }
0x1b: {  	s13 =	smax.u32 s13, $0x1;
	[sflag:s3] =	ssyncadd.s32 $0xFFFFF700  }
0x1c: {  	p0 =	sne.s32 s13, $0x1;
	_ =	swait.ge [sflag:s10], $0x900  }
.Ltmp0:
0x1d: {  	[sflag:s10] =	ssyncset.done $0x0;
	(pc) =	sbr.rel @!p0 .LBB2_2-.Ltmp0, $4  }
0x1e: {  	s12 =	sadd.s32 $0x120, s11;
	[sflag:s10] =	ssyncadd.s32 $0xFFFFF700  }
0x1f: {  	[hbm4b:s12+s2] =	stream.linear.scatter [tilespmem:s9], [sflag:$0x2], $0x900, $0x38;
	[tilespmem:$0x1290] =	vst v63  }
0x20: {  	_ =	swait.ge [sflag:s3], $0x900  }
0x21: {  	s13 =	sadd.s32 $0xFFFFFFFF, s13;
	[sflag:s3] =	ssyncset.done $0x0  }
.LBB2_1:
0x22: {  	p0 =	sne.s32 s13, $0x1;
	s13 =	sadd.s32 $0xFFFFFFFF, s13;
	[sflag:s3] =	ssyncadd.s32 $0xFFFFF700  }
0x23: {  	[tilespmem:s2], [sflag:$0x2] =	stream.linear.gather [hbm4b:s4+s2], $0x48, $0x38;
	[tilespmem:$0x1290] =	vst v63  }
0x24: {  	_ =	swait.ge [sflag:s3], $0x48  }
0x25: {  	[sflag:s3] =	ssyncset.done $0x0  }
0x26: {  	[sflag:s3] =	ssyncadd.s32 $0xFFFFFFB8  }
0x27: {  	[tilespmem:s6], [sflag:$0x2] =	stream.linear.gather [hbm4b:s5+s2], $0x48, $0x38;
	[tilespmem:$0x1290] =	vst v63  }
0x28: {  	_ =	swait.ge [sflag:s3], $0x48  }
0x29: {  	[sflag:s3] =	ssyncset.done $0x0  }
0x2a: {  	[sflag:s3] =	ssyncadd.s32 $0xFFFFFFB8  }
0x2b: {  	[tilespmem:s8], [sflag:$0x1] =	stream.indirect.gather [hbm4b:s7+s6], $0x20, s2, s6, $0xb8;
	[tilespmem:$0x1290] =	vst v63  }
0x2c: {  	_ = 	snop  }
0x2d: {  	[tilespmem:s9], [sflag:$0x1] =	stream.indirect.gather [hbm4b:s7+s6], $0x20, s6, s6, $0xb8;
	[tilespmem:$0x1290] =	vst v63  }
0x2e: {  	_ =	swait.ge [sflag:s10], $0x900  }
0x2f: {  	[sflag:s10] =	ssyncset.done $0x0  }
0x30: {  	[sflag:s10] =	ssyncadd.s32 $0xFFFFF700  }
0x31: {  	[hbm4b:s11+s2] =	stream.linear.scatter [tilespmem:s8], [sflag:$0x2], $0x900, $0x38;
	[tilespmem:$0x1290] =	vst v63  }
0x32: {  	_ =	swait.ge [sflag:s3], $0x900  }
0x33: {  	[sflag:s3] =	ssyncset.done $0x0  }
0x34: {  	[sflag:s3] =	ssyncadd.s32 $0xFFFFF700  }
0x35: {  	_ =	swait.ge [sflag:s10], $0x900  }
.Ltmp1:
0x36: {  	[sflag:s10] =	ssyncset.done $0x0;
	(pc) =	sbr.rel @p0 .LBB2_1-.Ltmp1, $4  }
0x37: {  	[sflag:s10] =	ssyncadd.s32 $0xFFFFF700  }
0x38: {  	[hbm4b:s12+s2] =	stream.linear.scatter [tilespmem:s9], [sflag:$0x2], $0x900, $0x38;
	[tilespmem:$0x1290] =	vst v63  }
0x39: {  	_ =	swait.ge [sflag:s3], $0x900  }
0x3a: {  	[sflag:s3] =	ssyncset.done $0x0  }
.LBB2_2:
0x3b: {  	[sflag:s3] =	ssyncadd.s32 $0xFFFFF700  }
0x3c: {  	_ =	sfence.sel $0x180000  }
0x3d: {  	[bflag:$0x0] =	sbarrier.arrive $0xFFFF  }
0x3e: {  	p0 =	sne.s32 s0, $0x0;
	_ =	strace $0x90000047  }
0x3f: {  	s0 =	sadd.s32 @!p0 $0x100000, s1;
	[bflag:$0x2] =	sbarrier.arrive $0xFFFF  }
0x40: {  	[sflag:s0] =	ssyncadd.tile.s32 @!p0 $0x1;
	_ =	shalt  }
.Lfunc_end2:
_tile_overlayer_lowered:
.L_overlay_start_2:
0x41: {  	(tag) =	ssettag $0x2  }
0x42: {  	s0 =	rddreg [dreg:$0x0];
	s2 =	stileid.u32  }
0x43: {  	s1 =	rddreg [dreg:$0x1];
	p0 =	sne.s32 s2, $0x0  }
0x44: {  	s3 =	rddreg [dreg:$0x2];
	[bflag:$0x3] =	sbarrier.arrive $0xFFFF;
	s2 =	simm.s32 @!p0 $0x1C02  }
0x45: {  	[timem:s3], [sflag:s2] =	dma.local @!p0 [hbm:s0], s1  }
0x46: {  	s0 =	simm.s32 @!p0 $0x2  }
0x47: {  	_ =	swait.ge @!p0 [sflag:s0], s1  }
0x48: {  	s1 =	ssub.s32 @!p0 $0x0, s1;
	[sflag:s0] =	ssyncset.done @!p0 $0x0  }
0x49: {  	[sflag:s0] =	ssyncadd.s32 @!p0 s1  }
0x4a: {  	[bflag:$0x3] =	sbarrier.arrive $0xFFFF  }
0x4b: {  	_ =	shalt  }

</sc_bundles>
